<compile_context>
chip_gen: v7x
topology: tpu7x:2x2x1
jax: 0.10.2.dev20260603
libtpu: 0.0.44.dev20260713+nightly
codegen_flags: <defaults>
</compile_context>

<pallas_src>
import functools

import numpy as np
import jax
import jax.numpy as jnp
from jax import lax
from jax.experimental import pallas as pl
from jax.experimental.pallas import tpu as pltpu
from jax.experimental.pallas import tpu_sc as plsc

NUM_FIELDS = 26
EMBED_DIM = 16
BATCH = 16384
FIELD_SIZE = 100000
_OFFSETS_NP = (np.arange(NUM_FIELDS) * FIELD_SIZE).astype(np.int32)
NUM_PAIRS = NUM_FIELDS * (NUM_FIELDS - 1) // 2

FPAD = 32
ROWS32 = BATCH * FPAD
LTILES = FPAD * EMBED_DIM // 128

_iu, _ju = np.triu_indices(NUM_FIELDS, k=1)
_ref_pos = {(int(i), int(j)): p for p, (i, j) in enumerate(zip(_iu, _ju))}
_PERM = np.array(
    [_ref_pos[(i, i + k)] for k in range(1, NUM_FIELDS) for i in range(NUM_FIELDS - k)],
    dtype=np.int32,
)

_NC, _NS = 2, 16
_NW = _NC * _NS
_CHUNK = 2048

_sc_mesh = plsc.VectorSubcoreMesh(core_axis_name="c", subcore_axis_name="s")


def _make_sc_gather(nrows):
    rows_per_w = nrows // _NW
    nchunk = rows_per_w // _CHUNK

    @functools.partial(
        pl.kernel,
        mesh=_sc_mesh,
        out_type=jax.ShapeDtypeStruct((nrows, EMBED_DIM), jnp.float32),
        scratch_types=[
            pltpu.VMEM((rows_per_w,), jnp.int32),
            pltpu.VMEM((_CHUNK, EMBED_DIM), jnp.float32),
            pltpu.VMEM((_CHUNK, EMBED_DIM), jnp.float32),
            pltpu.SemaphoreType.DMA,
            pltpu.SemaphoreType.DMA,
        ],
        compiler_params=pltpu.CompilerParams(use_tc_tiling_on_sc=False),
    )
    def gather(idx_hbm, table_hbm, out_hbm, idx_v, rows_a, rows_b, sem_a, sem_b):
        wid = lax.axis_index("s") * _NC + lax.axis_index("c")
        base = wid * rows_per_w
        pltpu.sync_copy(idx_hbm.at[pl.ds(base, rows_per_w)], idx_v)
        bufs = (rows_a, rows_b)
        sems = (sem_a, sem_b)
        handles = [None, None]
        handles[0] = pltpu.async_copy(
            table_hbm.at[idx_v.at[pl.ds(0, _CHUNK)]], bufs[0], sems[0]
        )
        for c in range(nchunk):
            nxt = c + 1
            if nxt < nchunk:
                handles[nxt % 2] = pltpu.async_copy(
                    table_hbm.at[idx_v.at[pl.ds(nxt * _CHUNK, _CHUNK)]],
                    bufs[nxt % 2],
                    sems[nxt % 2],
                )
            handles[c % 2].wait()
            pltpu.sync_copy(bufs[c % 2], out_hbm.at[pl.ds(base + c * _CHUNK, _CHUNK)])

    return gather


_NSPLIT = 2
_sc_gather_half = _make_sc_gather(ROWS32 // _NSPLIT)


TABLE_ROWS = 100000 * NUM_FIELDS
_PK_COLS = 32768
_PK_GRID = -(-TABLE_ROWS // _PK_COLS)
_PK_STRIP = _PK_COLS // 8
TABLE_ROWS_PAD = _PK_GRID * _PK_COLS


def _pack_body(tT_ref, out_ref):
    v = tT_ref[...]
    stacked = jnp.concatenate(
        [v[:, j * _PK_STRIP : (j + 1) * _PK_STRIP] for j in range(8)], axis=0
    )
    out_ref[...] = stacked.T


def _remap_rows(r):
    m = r // _PK_COLS
    j = (r // _PK_STRIP) % 8
    c = r % _PK_STRIP
    return m * _PK_COLS + c * 8 + j


_pack_call = pl.pallas_call(
    _pack_body,
    grid=(_PK_GRID,),
    in_specs=[pl.BlockSpec((EMBED_DIM, _PK_COLS), lambda i: (0, i))],
    out_specs=pl.BlockSpec((_PK_STRIP, 128), lambda i: (i, 0)),
    out_shape=jax.ShapeDtypeStruct((TABLE_ROWS_PAD // 8, 128), jnp.float32),
)


_BB = 512


def _tc_body(emb_ref, w1t_ref, b1_ref, w2t_ref, b2_ref, wot_ref, bo_ref, out_ref):
    cols = []
    for c in range(LTILES):
        vc = jnp.concatenate(
            [emb_ref[:, c : c + 1, :], emb_ref[:, 4 + c : 5 + c, :]], axis=1
        ).reshape(_BB, 128)
        cols.append(vc.T)
    et = jnp.concatenate(cols, axis=0)
    parts = []
    for k in range(1, NUM_FIELDS):
        n = NUM_FIELDS - k
        a = et[: n * EMBED_DIM, :]
        b = et[k * EMBED_DIM : (k + n) * EMBED_DIM, :]
        prod = (a * b).reshape(n, EMBED_DIM, _BB)
        parts.append(jnp.sum(prod, axis=1))
    hT = jnp.concatenate(parts, axis=0)
    z1 = jnp.dot(w1t_ref[...], hT, preferred_element_type=jnp.float32)
    h1 = jnp.maximum(z1 + b1_ref[...], 0.0)
    z2 = jnp.dot(w2t_ref[...], h1, preferred_element_type=jnp.float32)
    h2 = jnp.maximum(z2 + b2_ref[...], 0.0)
    o = jnp.dot(wot_ref[...], h2, preferred_element_type=jnp.float32) + bo_ref[...]
    out_ref[...] = jax.nn.sigmoid(o)


_BHALF = BATCH // _NSPLIT


_tc_call = pl.pallas_call(
    _tc_body,
    grid=(_BHALF // _BB,),
    in_specs=[
        pl.BlockSpec((_BB // 2, 8, 128), lambda i: (i, 0, 0)),
        pl.BlockSpec((512, NUM_PAIRS), lambda i: (0, 0)),
        pl.BlockSpec((512, 1), lambda i: (0, 0)),
        pl.BlockSpec((256, 512), lambda i: (0, 0)),
        pl.BlockSpec((256, 1), lambda i: (0, 0)),
        pl.BlockSpec((1, 256), lambda i: (0, 0)),
        pl.BlockSpec((1, 1), lambda i: (0, 0)),
    ],
    out_specs=pl.BlockSpec((1, _BB), lambda i: (0, i)),
    out_shape=jax.ShapeDtypeStruct((1, _BHALF), jnp.float32),
)


def kernel(x, table, W1, b1, W2, b2, Wout, bout):
    offsets = jnp.asarray(_OFFSETS_NP)
    idx = x + offsets[None, :]
    idx32 = jnp.concatenate(
        [idx] + [idx[:, NUM_FIELDS - 1 :]] * (FPAD - NUM_FIELDS), axis=1
    )
    idx_ord = _remap_rows(idx32.reshape(ROWS32))
    packed = _pack_call(table.T)
    table_lin = packed.reshape(TABLE_ROWS_PAD, EMBED_DIM)
    w1t = W1[jnp.asarray(_PERM), :].T
    w2t = W2.T
    wot = Wout.T
    rows_half = ROWS32 // _NSPLIT
    outs = []
    for h in range(_NSPLIT):
        idx_h = lax.slice(idx_ord, (h * rows_half,), ((h + 1) * rows_half,))
        emb4 = _sc_gather_half(idx_h, table_lin).reshape(
            rows_half * EMBED_DIM // 1024, 8, 128
        )
        outs.append(
            _tc_call(
                emb4,
                w1t,
                b1.reshape(512, 1),
                w2t,
                b2.reshape(256, 1),
                wot,
                bout.reshape(1, 1),
            )
        )
    return jnp.concatenate(outs, axis=1).reshape(BATCH, 1)

# --- scband reference (transcript-rebuilt; emitter-appended) ---
"""Pipeline reference for scband-dlrm-61220463837354 (READ-ONLY COPY).

The authoritative reference and input builder live on the scoring server;
editing this copy changes nothing except your own understanding.
"""

import jax, jax.numpy as jnp
import numpy as np

FIELD_DIMS = [100000] * 26
EMBED_DIM = 16
MLP_DIMS = [512, 256]
BATCH = 16384
NUM_FIELDS = len(FIELD_DIMS)
TOTAL_ROWS = int(sum(FIELD_DIMS))
OFFSETS = jnp.asarray(np.concatenate(([0], np.cumsum(FIELD_DIMS)[:-1])), dtype=jnp.int32)
_iu = np.triu_indices(NUM_FIELDS, k=1)
I_IDX = jnp.asarray(_iu[0], dtype=jnp.int32)
J_IDX = jnp.asarray(_iu[1], dtype=jnp.int32)
TOP_IN = NUM_FIELDS * (NUM_FIELDS - 1) // 2  # 325


def setup_inputs(seed: int = 0) -> dict:
    key = jax.random.key(seed)
    ks = jax.random.split(key, 10)
    x = jax.random.randint(ks[0], (BATCH, NUM_FIELDS), 0, 100000, dtype=jnp.int32)
    table = jax.random.normal(ks[1], (TOTAL_ROWS, EMBED_DIM), dtype=jnp.float32) * 0.01
    W1 = jax.random.normal(ks[2], (TOP_IN, MLP_DIMS[0]), dtype=jnp.float32) * 0.05
    b1 = jnp.zeros((MLP_DIMS[0],), dtype=jnp.float32)
    W2 = jax.random.normal(ks[3], (MLP_DIMS[0], MLP_DIMS[1]), dtype=jnp.float32) * 0.05
    b2 = jnp.zeros((MLP_DIMS[1],), dtype=jnp.float32)
    Wout = jax.random.normal(ks[4], (MLP_DIMS[1], 1), dtype=jnp.float32) * 0.05
    bout = jnp.zeros((1,), dtype=jnp.float32)
    return {"x": x, "table": table, "W1": W1, "b1": b1, "W2": W2, "b2": b2, "Wout": Wout, "bout": bout}


def reference(x, table, W1, b1, W2, b2, Wout, bout):
    # FeaturesEmbedding: add per-field offsets, gather from single fused table
    idx = x + OFFSETS[None, :]                      # [B, F]
    emb = jnp.take(table, idx, axis=0)              # [B, F, D]
    # EmbeddingsInteraction ('dot'): elementwise products of all field pairs i<j
    ei = emb[:, I_IDX, :]                           # [B, P, D]
    ej = emb[:, J_IDX, :]                           # [B, P, D]
    interact = ei * ej                              # [B, P, D]
    h = jnp.sum(interact, axis=2)                   # [B, P] (torch.sum(..., dim=2))
    # MultiLayerPerceptron (eval mode: BatchNorm with default running stats == identity; dropout=0)
    h = jax.nn.relu(h @ W1 + b1)
    h = jax.nn.relu(h @ W2 + b2)
    out = h @ Wout + bout                           # [B, 1]
    return jax.nn.sigmoid(out)

if __name__ == "__main__":
    import jax
    _d = setup_inputs()
    print(jax.jit(kernel)(*tuple(_d.values())))

</pallas_src>

<mosaic_0001>
#map = affine_map<(d0, d1) -> (0)>
#map1 = affine_map<(d0, d1) -> (0, 0)>
module attributes {stable_mosaic.version = 14 : i64} {
  func.func @gather(%arg0: i32, %arg1: i32, %arg2: memref<262144xi32, #tpu.memory_space<hbm>>, %arg3: memref<2621440x16xf32, #tpu.memory_space<hbm>>, %arg4: memref<262144x16xf32, #tpu.memory_space<hbm>>, %arg5: memref<8192xi32, #tpu.memory_space<vmem>>, %arg6: memref<2048x16xf32, #tpu.memory_space<vmem>>, %arg7: memref<2048x16xf32, #tpu.memory_space<vmem>>, %arg8: memref<!tpu.dma_semaphore, #tpu.memory_space<semaphore_mem>>, %arg9: memref<!tpu.dma_semaphore, #tpu.memory_space<semaphore_mem>>) attributes {dimension_semantics = [#tpu.dimension_semantics<core_parallel>, #tpu.dimension_semantics<subcore_parallel>], iteration_bounds = array<i64: 2, 16>, scalar_prefetch = 0 : i64, scratch_operands = 5 : i64, tpu.core_type = #tpu.core_type<sc_vector_subcore>, window_params = [{transform_indices = #map}, {transform_indices = #map1}, {transform_indices = #map1}]} {
    %mul3A = arith.constant 2 : i32
    %mul3A_0 = arith.muli %arg1, %mul3A : i32
    %add3A = arith.addi %mul3A_0, %arg0 : i32
    %mul3A_1 = arith.constant 8192 : i32
    %mul3A_2 = arith.muli %add3A, %mul3A_1 : i32
    "tpu.region"() ({
      %run_scoped3A = tpu.sem_alloc : memref<!tpu.dma_semaphore, #tpu.memory_space<semaphore_mem>>
      %dma_start3A_49 = tpu.memref_slice %arg2[%mul3A_2] : memref<262144xi32, #tpu.memory_space<hbm>> -> memref<8192xi32, #tpu.memory_space<hbm>>
      %dma_start3A_50 = tpu.memref_slice %arg2[%mul3A_2] : memref<262144xi32, #tpu.memory_space<hbm>> -> memref<8192xi32, #tpu.memory_space<hbm>>
      tpu.enqueue_dma source(%dma_start3A_50 : memref<8192xi32, #tpu.memory_space<hbm>>) target(%arg5 : memref<8192xi32, #tpu.memory_space<vmem>>) target_semaphore(%run_scoped3A : memref<!tpu.dma_semaphore, #tpu.memory_space<semaphore_mem>>)
      %dma_wait3A_51 = tpu.memref_slice %arg2[%mul3A_2] : memref<262144xi32, #tpu.memory_space<hbm>> -> memref<8192xi32, #tpu.memory_space<hbm>>
      %dma_wait3A_52 = tpu.memref_slice %arg2[%mul3A_2] : memref<262144xi32, #tpu.memory_space<hbm>> -> memref<8192xi32, #tpu.memory_space<hbm>>
      tpu.wait_dma2 semaphore(%run_scoped3A : memref<!tpu.dma_semaphore, #tpu.memory_space<semaphore_mem>>) src(%dma_wait3A_52 : memref<8192xi32, #tpu.memory_space<hbm>>) dst(%arg5 : memref<8192xi32, #tpu.memory_space<vmem>>)
      tpu.yield
    }) : () -> ()
    %dma_start3A = arith.constant 0 : i32
    %dma_start3A_3 = tpu.memref_slice %arg5[%dma_start3A] : memref<8192xi32, #tpu.memory_space<vmem>> -> memref<2048xi32, #tpu.memory_space<vmem>>
    %dma_start3A_4 = arith.constant 0 : i32
    %dma_start3A_5 = arith.constant 0 : i32
    %dma_start3A_6 = tpu.memref_slice %arg3[%dma_start3A_4, %dma_start3A_5] : memref<2621440x16xf32, #tpu.memory_space<hbm>> -> memref<2621440x16xf32, #tpu.memory_space<hbm>>
    tpu.enqueue_indirect_dma source(%dma_start3A_6 : memref<2621440x16xf32, #tpu.memory_space<hbm>>) target(%arg6 : memref<2048x16xf32, #tpu.memory_space<vmem>>) offsets(%dma_start3A_3 : memref<2048xi32, #tpu.memory_space<vmem>>) semaphore(%arg8 : memref<!tpu.dma_semaphore, #tpu.memory_space<semaphore_mem>>)
    %dma_start3A_7 = arith.constant 2048 : i32
    %dma_start3A_8 = tpu.memref_slice %arg5[%dma_start3A_7] : memref<8192xi32, #tpu.memory_space<vmem>> -> memref<2048xi32, #tpu.memory_space<vmem>>
    %dma_start3A_9 = arith.constant 0 : i32
    %dma_start3A_10 = arith.constant 0 : i32
    %dma_start3A_11 = tpu.memref_slice %arg3[%dma_start3A_9, %dma_start3A_10] : memref<2621440x16xf32, #tpu.memory_space<hbm>> -> memref<2621440x16xf32, #tpu.memory_space<hbm>>
    tpu.enqueue_indirect_dma source(%dma_start3A_11 : memref<2621440x16xf32, #tpu.memory_space<hbm>>) target(%arg7 : memref<2048x16xf32, #tpu.memory_space<vmem>>) offsets(%dma_start3A_8 : memref<2048xi32, #tpu.memory_space<vmem>>) semaphore(%arg9 : memref<!tpu.dma_semaphore, #tpu.memory_space<semaphore_mem>>)
    %dma_wait3A = arith.constant 0 : i32
    %dma_wait3A_12 = tpu.memref_slice %arg5[%dma_wait3A] : memref<8192xi32, #tpu.memory_space<vmem>> -> memref<2048xi32, #tpu.memory_space<vmem>>
    %dma_wait3A_13 = arith.constant 0 : i32
    %dma_wait3A_14 = arith.constant 0 : i32
    %dma_wait3A_15 = tpu.memref_slice %arg3[%dma_wait3A_13, %dma_wait3A_14] : memref<2621440x16xf32, #tpu.memory_space<hbm>> -> memref<2621440x16xf32, #tpu.memory_space<hbm>>
    tpu.wait_indirect_dma semaphore(%arg8 : memref<!tpu.dma_semaphore, #tpu.memory_space<semaphore_mem>>) src(%dma_wait3A_15 : memref<2621440x16xf32, #tpu.memory_space<hbm>>) dst(%arg6 : memref<2048x16xf32, #tpu.memory_space<vmem>>)
    %add3A_16 = arith.constant 0 : i32
    %add3A_17 = arith.addi %mul3A_2, %add3A_16 : i32
    "tpu.region"() ({
      %run_scoped3A = tpu.sem_alloc : memref<!tpu.dma_semaphore, #tpu.memory_space<semaphore_mem>>
      %dma_start3A_49 = arith.constant 0 : i32
      %dma_start3A_50 = tpu.memref_slice %arg4[%add3A_17, %dma_start3A_49] : memref<262144x16xf32, #tpu.memory_space<hbm>> -> memref<2048x16xf32, #tpu.memory_space<hbm>>
      %dma_start3A_51 = arith.constant 0 : i32
      %dma_start3A_52 = tpu.memref_slice %arg4[%add3A_17, %dma_start3A_51] : memref<262144x16xf32, #tpu.memory_space<hbm>> -> memref<2048x16xf32, #tpu.memory_space<hbm>>
      tpu.enqueue_dma source(%arg6 : memref<2048x16xf32, #tpu.memory_space<vmem>>) target(%dma_start3A_52 : memref<2048x16xf32, #tpu.memory_space<hbm>>) target_semaphore(%run_scoped3A : memref<!tpu.dma_semaphore, #tpu.memory_space<semaphore_mem>>)
      %dma_wait3A_53 = arith.constant 0 : i32
      %dma_wait3A_54 = tpu.memref_slice %arg4[%add3A_17, %dma_wait3A_53] : memref<262144x16xf32, #tpu.memory_space<hbm>> -> memref<2048x16xf32, #tpu.memory_space<hbm>>
      %dma_wait3A_55 = arith.constant 0 : i32
      %dma_wait3A_56 = tpu.memref_slice %arg4[%add3A_17, %dma_wait3A_55] : memref<262144x16xf32, #tpu.memory_space<hbm>> -> memref<2048x16xf32, #tpu.memory_space<hbm>>
      tpu.wait_dma2 semaphore(%run_scoped3A : memref<!tpu.dma_semaphore, #tpu.memory_space<semaphore_mem>>) src(%arg6 : memref<2048x16xf32, #tpu.memory_space<vmem>>) dst(%dma_wait3A_56 : memref<2048x16xf32, #tpu.memory_space<hbm>>)
      tpu.yield
    }) : () -> ()
    %dma_start3A_18 = arith.constant 4096 : i32
    %dma_start3A_19 = tpu.memref_slice %arg5[%dma_start3A_18] : memref<8192xi32, #tpu.memory_space<vmem>> -> memref<2048xi32, #tpu.memory_space<vmem>>
    %dma_start3A_20 = arith.constant 0 : i32
    %dma_start3A_21 = arith.constant 0 : i32
    %dma_start3A_22 = tpu.memref_slice %arg3[%dma_start3A_20, %dma_start3A_21] : memref<2621440x16xf32, #tpu.memory_space<hbm>> -> memref<2621440x16xf32, #tpu.memory_space<hbm>>
    tpu.enqueue_indirect_dma source(%dma_start3A_22 : memref<2621440x16xf32, #tpu.memory_space<hbm>>) target(%arg6 : memref<2048x16xf32, #tpu.memory_space<vmem>>) offsets(%dma_start3A_19 : memref<2048xi32, #tpu.memory_space<vmem>>) semaphore(%arg8 : memref<!tpu.dma_semaphore, #tpu.memory_space<semaphore_mem>>)
    %dma_wait3A_23 = arith.constant 2048 : i32
    %dma_wait3A_24 = tpu.memref_slice %arg5[%dma_wait3A_23] : memref<8192xi32, #tpu.memory_space<vmem>> -> memref<2048xi32, #tpu.memory_space<vmem>>
    %dma_wait3A_25 = arith.constant 0 : i32
    %dma_wait3A_26 = arith.constant 0 : i32
    %dma_wait3A_27 = tpu.memref_slice %arg3[%dma_wait3A_25, %dma_wait3A_26] : memref<2621440x16xf32, #tpu.memory_space<hbm>> -> memref<2621440x16xf32, #tpu.memory_space<hbm>>
    tpu.wait_indirect_dma semaphore(%arg9 : memref<!tpu.dma_semaphore, #tpu.memory_space<semaphore_mem>>) src(%dma_wait3A_27 : memref<2621440x16xf32, #tpu.memory_space<hbm>>) dst(%arg7 : memref<2048x16xf32, #tpu.memory_space<vmem>>)
    %add3A_28 = arith.constant 2048 : i32
    %add3A_29 = arith.addi %mul3A_2, %add3A_28 : i32
    "tpu.region"() ({
      %run_scoped3A = tpu.sem_alloc : memref<!tpu.dma_semaphore, #tpu.memory_space<semaphore_mem>>
      %dma_start3A_49 = arith.constant 0 : i32
      %dma_start3A_50 = tpu.memref_slice %arg4[%add3A_29, %dma_start3A_49] : memref<262144x16xf32, #tpu.memory_space<hbm>> -> memref<2048x16xf32, #tpu.memory_space<hbm>>
      %dma_start3A_51 = arith.constant 0 : i32
      %dma_start3A_52 = tpu.memref_slice %arg4[%add3A_29, %dma_start3A_51] : memref<262144x16xf32, #tpu.memory_space<hbm>> -> memref<2048x16xf32, #tpu.memory_space<hbm>>
      tpu.enqueue_dma source(%arg7 : memref<2048x16xf32, #tpu.memory_space<vmem>>) target(%dma_start3A_52 : memref<2048x16xf32, #tpu.memory_space<hbm>>) target_semaphore(%run_scoped3A : memref<!tpu.dma_semaphore, #tpu.memory_space<semaphore_mem>>)
      %dma_wait3A_53 = arith.constant 0 : i32
      %dma_wait3A_54 = tpu.memref_slice %arg4[%add3A_29, %dma_wait3A_53] : memref<262144x16xf32, #tpu.memory_space<hbm>> -> memref<2048x16xf32, #tpu.memory_space<hbm>>
      %dma_wait3A_55 = arith.constant 0 : i32
      %dma_wait3A_56 = tpu.memref_slice %arg4[%add3A_29, %dma_wait3A_55] : memref<262144x16xf32, #tpu.memory_space<hbm>> -> memref<2048x16xf32, #tpu.memory_space<hbm>>
      tpu.wait_dma2 semaphore(%run_scoped3A : memref<!tpu.dma_semaphore, #tpu.memory_space<semaphore_mem>>) src(%arg7 : memref<2048x16xf32, #tpu.memory_space<vmem>>) dst(%dma_wait3A_56 : memref<2048x16xf32, #tpu.memory_space<hbm>>)
      tpu.yield
    }) : () -> ()
    %dma_start3A_30 = arith.constant 6144 : i32
    %dma_start3A_31 = tpu.memref_slice %arg5[%dma_start3A_30] : memref<8192xi32, #tpu.memory_space<vmem>> -> memref<2048xi32, #tpu.memory_space<vmem>>
    %dma_start3A_32 = arith.constant 0 : i32
    %dma_start3A_33 = arith.constant 0 : i32
    %dma_start3A_34 = tpu.memref_slice %arg3[%dma_start3A_32, %dma_start3A_33] : memref<2621440x16xf32, #tpu.memory_space<hbm>> -> memref<2621440x16xf32, #tpu.memory_space<hbm>>
    tpu.enqueue_indirect_dma source(%dma_start3A_34 : memref<2621440x16xf32, #tpu.memory_space<hbm>>) target(%arg7 : memref<2048x16xf32, #tpu.memory_space<vmem>>) offsets(%dma_start3A_31 : memref<2048xi32, #tpu.memory_space<vmem>>) semaphore(%arg9 : memref<!tpu.dma_semaphore, #tpu.memory_space<semaphore_mem>>)
    %dma_wait3A_35 = arith.constant 4096 : i32
    %dma_wait3A_36 = tpu.memref_slice %arg5[%dma_wait3A_35] : memref<8192xi32, #tpu.memory_space<vmem>> -> memref<2048xi32, #tpu.memory_space<vmem>>
    %dma_wait3A_37 = arith.constant 0 : i32
    %dma_wait3A_38 = arith.constant 0 : i32
    %dma_wait3A_39 = tpu.memref_slice %arg3[%dma_wait3A_37, %dma_wait3A_38] : memref<2621440x16xf32, #tpu.memory_space<hbm>> -> memref<2621440x16xf32, #tpu.memory_space<hbm>>
    tpu.wait_indirect_dma semaphore(%arg8 : memref<!tpu.dma_semaphore, #tpu.memory_space<semaphore_mem>>) src(%dma_wait3A_39 : memref<2621440x16xf32, #tpu.memory_space<hbm>>) dst(%arg6 : memref<2048x16xf32, #tpu.memory_space<vmem>>)
    %add3A_40 = arith.constant 4096 : i32
    %add3A_41 = arith.addi %mul3A_2, %add3A_40 : i32
    "tpu.region"() ({
      %run_scoped3A = tpu.sem_alloc : memref<!tpu.dma_semaphore, #tpu.memory_space<semaphore_mem>>
      %dma_start3A_49 = arith.constant 0 : i32
      %dma_start3A_50 = tpu.memref_slice %arg4[%add3A_41, %dma_start3A_49] : memref<262144x16xf32, #tpu.memory_space<hbm>> -> memref<2048x16xf32, #tpu.memory_space<hbm>>
      %dma_start3A_51 = arith.constant 0 : i32
      %dma_start3A_52 = tpu.memref_slice %arg4[%add3A_41, %dma_start3A_51] : memref<262144x16xf32, #tpu.memory_space<hbm>> -> memref<2048x16xf32, #tpu.memory_space<hbm>>
      tpu.enqueue_dma source(%arg6 : memref<2048x16xf32, #tpu.memory_space<vmem>>) target(%dma_start3A_52 : memref<2048x16xf32, #tpu.memory_space<hbm>>) target_semaphore(%run_scoped3A : memref<!tpu.dma_semaphore, #tpu.memory_space<semaphore_mem>>)
      %dma_wait3A_53 = arith.constant 0 : i32
      %dma_wait3A_54 = tpu.memref_slice %arg4[%add3A_41, %dma_wait3A_53] : memref<262144x16xf32, #tpu.memory_space<hbm>> -> memref<2048x16xf32, #tpu.memory_space<hbm>>
      %dma_wait3A_55 = arith.constant 0 : i32
      %dma_wait3A_56 = tpu.memref_slice %arg4[%add3A_41, %dma_wait3A_55] : memref<262144x16xf32, #tpu.memory_space<hbm>> -> memref<2048x16xf32, #tpu.memory_space<hbm>>
      tpu.wait_dma2 semaphore(%run_scoped3A : memref<!tpu.dma_semaphore, #tpu.memory_space<semaphore_mem>>) src(%arg6 : memref<2048x16xf32, #tpu.memory_space<vmem>>) dst(%dma_wait3A_56 : memref<2048x16xf32, #tpu.memory_space<hbm>>)
      tpu.yield
    }) : () -> ()
    %dma_wait3A_42 = arith.constant 6144 : i32
    %dma_wait3A_43 = tpu.memref_slice %arg5[%dma_wait3A_42] : memref<8192xi32, #tpu.memory_space<vmem>> -> memref<2048xi32, #tpu.memory_space<vmem>>
    %dma_wait3A_44 = arith.constant 0 : i32
    %dma_wait3A_45 = arith.constant 0 : i32
    %dma_wait3A_46 = tpu.memref_slice %arg3[%dma_wait3A_44, %dma_wait3A_45] : memref<2621440x16xf32, #tpu.memory_space<hbm>> -> memref<2621440x16xf32, #tpu.memory_space<hbm>>
    tpu.wait_indirect_dma semaphore(%arg9 : memref<!tpu.dma_semaphore, #tpu.memory_space<semaphore_mem>>) src(%dma_wait3A_46 : memref<2621440x16xf32, #tpu.memory_space<hbm>>) dst(%arg7 : memref<2048x16xf32, #tpu.memory_space<vmem>>)
    %add3A_47 = arith.constant 6144 : i32
    %add3A_48 = arith.addi %mul3A_2, %add3A_47 : i32
    "tpu.region"() ({
      %run_scoped3A = tpu.sem_alloc : memref<!tpu.dma_semaphore, #tpu.memory_space<semaphore_mem>>
      %dma_start3A_49 = arith.constant 0 : i32
      %dma_start3A_50 = tpu.memref_slice %arg4[%add3A_48, %dma_start3A_49] : memref<262144x16xf32, #tpu.memory_space<hbm>> -> memref<2048x16xf32, #tpu.memory_space<hbm>>
      %dma_start3A_51 = arith.constant 0 : i32
      %dma_start3A_52 = tpu.memref_slice %arg4[%add3A_48, %dma_start3A_51] : memref<262144x16xf32, #tpu.memory_space<hbm>> -> memref<2048x16xf32, #tpu.memory_space<hbm>>
      tpu.enqueue_dma source(%arg7 : memref<2048x16xf32, #tpu.memory_space<vmem>>) target(%dma_start3A_52 : memref<2048x16xf32, #tpu.memory_space<hbm>>) target_semaphore(%run_scoped3A : memref<!tpu.dma_semaphore, #tpu.memory_space<semaphore_mem>>)
      %dma_wait3A_53 = arith.constant 0 : i32
      %dma_wait3A_54 = tpu.memref_slice %arg4[%add3A_48, %dma_wait3A_53] : memref<262144x16xf32, #tpu.memory_space<hbm>> -> memref<2048x16xf32, #tpu.memory_space<hbm>>
      %dma_wait3A_55 = arith.constant 0 : i32
      %dma_wait3A_56 = tpu.memref_slice %arg4[%add3A_48, %dma_wait3A_55] : memref<262144x16xf32, #tpu.memory_space<hbm>> -> memref<2048x16xf32, #tpu.memory_space<hbm>>
      tpu.wait_dma2 semaphore(%run_scoped3A : memref<!tpu.dma_semaphore, #tpu.memory_space<semaphore_mem>>) src(%arg7 : memref<2048x16xf32, #tpu.memory_space<vmem>>) dst(%dma_wait3A_56 : memref<2048x16xf32, #tpu.memory_space<hbm>>)
      tpu.yield
    }) : () -> ()
    return
  }
}

#map = affine_map<(d0, d1) -> (0)>
#map1 = affine_map<(d0, d1) -> (0, 0)>
module attributes {stable_mosaic.version = 14 : i64} {
  func.func @gather(%arg0: i32, %arg1: i32, %arg2: memref<262144xi32, #tpu.memory_space<hbm>>, %arg3: memref<2621440x16xf32, #tpu.memory_space<hbm>>, %arg4: memref<262144x16xf32, #tpu.memory_space<hbm>>, %arg5: memref<8192xi32, #tpu.memory_space<vmem>>, %arg6: memref<2048x16xf32, #tpu.memory_space<vmem>>, %arg7: memref<2048x16xf32, #tpu.memory_space<vmem>>, %arg8: memref<!tpu.dma_semaphore, #tpu.memory_space<semaphore_mem>>, %arg9: memref<!tpu.dma_semaphore, #tpu.memory_space<semaphore_mem>>) attributes {dimension_semantics = [#tpu.dimension_semantics<core_parallel>, #tpu.dimension_semantics<subcore_parallel>], iteration_bounds = array<i64: 2, 16>, scalar_prefetch = 0 : i64, scratch_operands = 5 : i64, tpu.core_type = #tpu.core_type<sc_vector_subcore>, window_params = [{transform_indices = #map}, {transform_indices = #map1}, {transform_indices = #map1}]} {
    %mul3A = arith.constant 2 : i32
    %mul3A_0 = arith.muli %arg1, %mul3A : i32
    %add3A = arith.addi %mul3A_0, %arg0 : i32
    %mul3A_1 = arith.constant 8192 : i32
    %mul3A_2 = arith.muli %add3A, %mul3A_1 : i32
    "tpu.region"() ({
      %run_scoped3A = tpu.sem_alloc : memref<!tpu.dma_semaphore, #tpu.memory_space<semaphore_mem>>
      %dma_start3A_49 = tpu.memref_slice %arg2[%mul3A_2] : memref<262144xi32, #tpu.memory_space<hbm>> -> memref<8192xi32, #tpu.memory_space<hbm>>
      %dma_start3A_50 = tpu.memref_slice %arg2[%mul3A_2] : memref<262144xi32, #tpu.memory_space<hbm>> -> memref<8192xi32, #tpu.memory_space<hbm>>
      tpu.enqueue_dma source(%dma_start3A_50 : memref<8192xi32, #tpu.memory_space<hbm>>) target(%arg5 : memref<8192xi32, #tpu.memory_space<vmem>>) target_semaphore(%run_scoped3A : memref<!tpu.dma_semaphore, #tpu.memory_space<semaphore_mem>>)
      %dma_wait3A_51 = tpu.memref_slice %arg2[%mul3A_2] : memref<262144xi32, #tpu.memory_space<hbm>> -> memref<8192xi32, #tpu.memory_space<hbm>>
      %dma_wait3A_52 = tpu.memref_slice %arg2[%mul3A_2] : memref<262144xi32, #tpu.memory_space<hbm>> -> memref<8192xi32, #tpu.memory_space<hbm>>
      tpu.wait_dma2 semaphore(%run_scoped3A : memref<!tpu.dma_semaphore, #tpu.memory_space<semaphore_mem>>) src(%dma_wait3A_52 : memref<8192xi32, #tpu.memory_space<hbm>>) dst(%arg5 : memref<8192xi32, #tpu.memory_space<vmem>>)
      tpu.yield
    }) : () -> ()
    %dma_start3A = arith.constant 0 : i32
    %dma_start3A_3 = tpu.memref_slice %arg5[%dma_start3A] : memref<8192xi32, #tpu.memory_space<vmem>> -> memref<2048xi32, #tpu.memory_space<vmem>>
    %dma_start3A_4 = arith.constant 0 : i32
    %dma_start3A_5 = arith.constant 0 : i32
    %dma_start3A_6 = tpu.memref_slice %arg3[%dma_start3A_4, %dma_start3A_5] : memref<2621440x16xf32, #tpu.memory_space<hbm>> -> memref<2621440x16xf32, #tpu.memory_space<hbm>>
    tpu.enqueue_indirect_dma source(%dma_start3A_6 : memref<2621440x16xf32, #tpu.memory_space<hbm>>) target(%arg6 : memref<2048x16xf32, #tpu.memory_space<vmem>>) offsets(%dma_start3A_3 : memref<2048xi32, #tpu.memory_space<vmem>>) semaphore(%arg8 : memref<!tpu.dma_semaphore, #tpu.memory_space<semaphore_mem>>)
    %dma_start3A_7 = arith.constant 2048 : i32
    %dma_start3A_8 = tpu.memref_slice %arg5[%dma_start3A_7] : memref<8192xi32, #tpu.memory_space<vmem>> -> memref<2048xi32, #tpu.memory_space<vmem>>
    %dma_start3A_9 = arith.constant 0 : i32
    %dma_start3A_10 = arith.constant 0 : i32
    %dma_start3A_11 = tpu.memref_slice %arg3[%dma_start3A_9, %dma_start3A_10] : memref<2621440x16xf32, #tpu.memory_space<hbm>> -> memref<2621440x16xf32, #tpu.memory_space<hbm>>
    tpu.enqueue_indirect_dma source(%dma_start3A_11 : memref<2621440x16xf32, #tpu.memory_space<hbm>>) target(%arg7 : memref<2048x16xf32, #tpu.memory_space<vmem>>) offsets(%dma_start3A_8 : memref<2048xi32, #tpu.memory_space<vmem>>) semaphore(%arg9 : memref<!tpu.dma_semaphore, #tpu.memory_space<semaphore_mem>>)
    %dma_wait3A = arith.constant 0 : i32
    %dma_wait3A_12 = tpu.memref_slice %arg5[%dma_wait3A] : memref<8192xi32, #tpu.memory_space<vmem>> -> memref<2048xi32, #tpu.memory_space<vmem>>
    %dma_wait3A_13 = arith.constant 0 : i32
    %dma_wait3A_14 = arith.constant 0 : i32
    %dma_wait3A_15 = tpu.memref_slice %arg3[%dma_wait3A_13, %dma_wait3A_14] : memref<2621440x16xf32, #tpu.memory_space<hbm>> -> memref<2621440x16xf32, #tpu.memory_space<hbm>>
    tpu.wait_indirect_dma semaphore(%arg8 : memref<!tpu.dma_semaphore, #tpu.memory_space<semaphore_mem>>) src(%dma_wait3A_15 : memref<2621440x16xf32, #tpu.memory_space<hbm>>) dst(%arg6 : memref<2048x16xf32, #tpu.memory_space<vmem>>)
    %add3A_16 = arith.constant 0 : i32
    %add3A_17 = arith.addi %mul3A_2, %add3A_16 : i32
    "tpu.region"() ({
      %run_scoped3A = tpu.sem_alloc : memref<!tpu.dma_semaphore, #tpu.memory_space<semaphore_mem>>
      %dma_start3A_49 = arith.constant 0 : i32
      %dma_start3A_50 = tpu.memref_slice %arg4[%add3A_17, %dma_start3A_49] : memref<262144x16xf32, #tpu.memory_space<hbm>> -> memref<2048x16xf32, #tpu.memory_space<hbm>>
      %dma_start3A_51 = arith.constant 0 : i32
      %dma_start3A_52 = tpu.memref_slice %arg4[%add3A_17, %dma_start3A_51] : memref<262144x16xf32, #tpu.memory_space<hbm>> -> memref<2048x16xf32, #tpu.memory_space<hbm>>
      tpu.enqueue_dma source(%arg6 : memref<2048x16xf32, #tpu.memory_space<vmem>>) target(%dma_start3A_52 : memref<2048x16xf32, #tpu.memory_space<hbm>>) target_semaphore(%run_scoped3A : memref<!tpu.dma_semaphore, #tpu.memory_space<semaphore_mem>>)
      %dma_wait3A_53 = arith.constant 0 : i32
      %dma_wait3A_54 = tpu.memref_slice %arg4[%add3A_17, %dma_wait3A_53] : memref<262144x16xf32, #tpu.memory_space<hbm>> -> memref<2048x16xf32, #tpu.memory_space<hbm>>
      %dma_wait3A_55 = arith.constant 0 : i32
      %dma_wait3A_56 = tpu.memref_slice %arg4[%add3A_17, %dma_wait3A_55] : memref<262144x16xf32, #tpu.memory_space<hbm>> -> memref<2048x16xf32, #tpu.memory_space<hbm>>
      tpu.wait_dma2 semaphore(%run_scoped3A : memref<!tpu.dma_semaphore, #tpu.memory_space<semaphore_mem>>) src(%arg6 : memref<2048x16xf32, #tpu.memory_space<vmem>>) dst(%dma_wait3A_56 : memref<2048x16xf32, #tpu.memory_space<hbm>>)
      tpu.yield
    }) : () -> ()
    %dma_start3A_18 = arith.constant 4096 : i32
    %dma_start3A_19 = tpu.memref_slice %arg5[%dma_start3A_18] : memref<8192xi32, #tpu.memory_space<vmem>> -> memref<2048xi32, #tpu.memory_space<vmem>>
    %dma_start3A_20 = arith.constant 0 : i32
    %dma_start3A_21 = arith.constant 0 : i32
    %dma_start3A_22 = tpu.memref_slice %arg3[%dma_start3A_20, %dma_start3A_21] : memref<2621440x16xf32, #tpu.memory_space<hbm>> -> memref<2621440x16xf32, #tpu.memory_space<hbm>>
    tpu.enqueue_indirect_dma source(%dma_start3A_22 : memref<2621440x16xf32, #tpu.memory_space<hbm>>) target(%arg6 : memref<2048x16xf32, #tpu.memory_space<vmem>>) offsets(%dma_start3A_19 : memref<2048xi32, #tpu.memory_space<vmem>>) semaphore(%arg8 : memref<!tpu.dma_semaphore, #tpu.memory_space<semaphore_mem>>)
    %dma_wait3A_23 = arith.constant 2048 : i32
    %dma_wait3A_24 = tpu.memref_slice %arg5[%dma_wait3A_23] : memref<8192xi32, #tpu.memory_space<vmem>> -> memref<2048xi32, #tpu.memory_space<vmem>>
    %dma_wait3A_25 = arith.constant 0 : i32
    %dma_wait3A_26 = arith.constant 0 : i32
    %dma_wait3A_27 = tpu.memref_slice %arg3[%dma_wait3A_25, %dma_wait3A_26] : memref<2621440x16xf32, #tpu.memory_space<hbm>> -> memref<2621440x16xf32, #tpu.memory_space<hbm>>
    tpu.wait_indirect_dma semaphore(%arg9 : memref<!tpu.dma_semaphore, #tpu.memory_space<semaphore_mem>>) src(%dma_wait3A_27 : memref<2621440x16xf32, #tpu.memory_space<hbm>>) dst(%arg7 : memref<2048x16xf32, #tpu.memory_space<vmem>>)
    %add3A_28 = arith.constant 2048 : i32
    %add3A_29 = arith.addi %mul3A_2, %add3A_28 : i32
    "tpu.region"() ({
      %run_scoped3A = tpu.sem_alloc : memref<!tpu.dma_semaphore, #tpu.memory_space<semaphore_mem>>
      %dma_start3A_49 = arith.constant 0 : i32
      %dma_start3A_50 = tpu.memref_slice %arg4[%add3A_29, %dma_start3A_49] : memref<262144x16xf32, #tpu.memory_space<hbm>> -> memref<2048x16xf32, #tpu.memory_space<hbm>>
      %dma_start3A_51 = arith.constant 0 : i32
      %dma_start3A_52 = tpu.memref_slice %arg4[%add3A_29, %dma_start3A_51] : memref<262144x16xf32, #tpu.memory_space<hbm>> -> memref<2048x16xf32, #tpu.memory_space<hbm>>
      tpu.enqueue_dma source(%arg7 : memref<2048x16xf32, #tpu.memory_space<vmem>>) target(%dma_start3A_52 : memref<2048x16xf32, #tpu.memory_space<hbm>>) target_semaphore(%run_scoped3A : memref<!tpu.dma_semaphore, #tpu.memory_space<semaphore_mem>>)
      %dma_wait3A_53 = arith.constant 0 : i32
      %dma_wait3A_54 = tpu.memref_slice %arg4[%add3A_29, %dma_wait3A_53] : memref<262144x16xf32, #tpu.memory_space<hbm>> -> memref<2048x16xf32, #tpu.memory_space<hbm>>
      %dma_wait3A_55 = arith.constant 0 : i32
      %dma_wait3A_56 = tpu.memref_slice %arg4[%add3A_29, %dma_wait3A_55] : memref<262144x16xf32, #tpu.memory_space<hbm>> -> memref<2048x16xf32, #tpu.memory_space<hbm>>
      tpu.wait_dma2 semaphore(%run_scoped3A : memref<!tpu.dma_semaphore, #tpu.memory_space<semaphore_mem>>) src(%arg7 : memref<2048x16xf32, #tpu.memory_space<vmem>>) dst(%dma_wait3A_56 : memref<2048x16xf32, #tpu.memory_space<hbm>>)
      tpu.yield
    }) : () -> ()
    %dma_start3A_30 = arith.constant 6144 : i32
    %dma_start3A_31 = tpu.memref_slice %arg5[%dma_start3A_30] : memref<8192xi32, #tpu.memory_space<vmem>> -> memref<2048xi32, #tpu.memory_space<vmem>>
    %dma_start3A_32 = arith.constant 0 : i32
    %dma_start3A_33 = arith.constant 0 : i32
    %dma_start3A_34 = tpu.memref_slice %arg3[%dma_start3A_32, %dma_start3A_33] : memref<2621440x16xf32, #tpu.memory_space<hbm>> -> memref<2621440x16xf32, #tpu.memory_space<hbm>>
    tpu.enqueue_indirect_dma source(%dma_start3A_34 : memref<2621440x16xf32, #tpu.memory_space<hbm>>) target(%arg7 : memref<2048x16xf32, #tpu.memory_space<vmem>>) offsets(%dma_start3A_31 : memref<2048xi32, #tpu.memory_space<vmem>>) semaphore(%arg9 : memref<!tpu.dma_semaphore, #tpu.memory_space<semaphore_mem>>)
    %dma_wait3A_35 = arith.constant 4096 : i32
    %dma_wait3A_36 = tpu.memref_slice %arg5[%dma_wait3A_35] : memref<8192xi32, #tpu.memory_space<vmem>> -> memref<2048xi32, #tpu.memory_space<vmem>>
    %dma_wait3A_37 = arith.constant 0 : i32
    %dma_wait3A_38 = arith.constant 0 : i32
    %dma_wait3A_39 = tpu.memref_slice %arg3[%dma_wait3A_37, %dma_wait3A_38] : memref<2621440x16xf32, #tpu.memory_space<hbm>> -> memref<2621440x16xf32, #tpu.memory_space<hbm>>
    tpu.wait_indirect_dma semaphore(%arg8 : memref<!tpu.dma_semaphore, #tpu.memory_space<semaphore_mem>>) src(%dma_wait3A_39 : memref<2621440x16xf32, #tpu.memory_space<hbm>>) dst(%arg6 : memref<2048x16xf32, #tpu.memory_space<vmem>>)
    %add3A_40 = arith.constant 4096 : i32
    %add3A_41 = arith.addi %mul3A_2, %add3A_40 : i32
    "tpu.region"() ({
      %run_scoped3A = tpu.sem_alloc : memref<!tpu.dma_semaphore, #tpu.memory_space<semaphore_mem>>
      %dma_start3A_49 = arith.constant 0 : i32
      %dma_start3A_50 = tpu.memref_slice %arg4[%add3A_41, %dma_start3A_49] : memref<262144x16xf32, #tpu.memory_space<hbm>> -> memref<2048x16xf32, #tpu.memory_space<hbm>>
      %dma_start3A_51 = arith.constant 0 : i32
      %dma_start3A_52 = tpu.memref_slice %arg4[%add3A_41, %dma_start3A_51] : memref<262144x16xf32, #tpu.memory_space<hbm>> -> memref<2048x16xf32, #tpu.memory_space<hbm>>
      tpu.enqueue_dma source(%arg6 : memref<2048x16xf32, #tpu.memory_space<vmem>>) target(%dma_start3A_52 : memref<2048x16xf32, #tpu.memory_space<hbm>>) target_semaphore(%run_scoped3A : memref<!tpu.dma_semaphore, #tpu.memory_space<semaphore_mem>>)
      %dma_wait3A_53 = arith.constant 0 : i32
      %dma_wait3A_54 = tpu.memref_slice %arg4[%add3A_41, %dma_wait3A_53] : memref<262144x16xf32, #tpu.memory_space<hbm>> -> memref<2048x16xf32, #tpu.memory_space<hbm>>
      %dma_wait3A_55 = arith.constant 0 : i32
      %dma_wait3A_56 = tpu.memref_slice %arg4[%add3A_41, %dma_wait3A_55] : memref<262144x16xf32, #tpu.memory_space<hbm>> -> memref<2048x16xf32, #tpu.memory_space<hbm>>
      tpu.wait_dma2 semaphore(%run_scoped3A : memref<!tpu.dma_semaphore, #tpu.memory_space<semaphore_mem>>) src(%arg6 : memref<2048x16xf32, #tpu.memory_space<vmem>>) dst(%dma_wait3A_56 : memref<2048x16xf32, #tpu.memory_space<hbm>>)
      tpu.yield
    }) : () -> ()
    %dma_wait3A_42 = arith.constant 6144 : i32
    %dma_wait3A_43 = tpu.memref_slice %arg5[%dma_wait3A_42] : memref<8192xi32, #tpu.memory_space<vmem>> -> memref<2048xi32, #tpu.memory_space<vmem>>
    %dma_wait3A_44 = arith.constant 0 : i32
    %dma_wait3A_45 = arith.constant 0 : i32
    %dma_wait3A_46 = tpu.memref_slice %arg3[%dma_wait3A_44, %dma_wait3A_45] : memref<2621440x16xf32, #tpu.memory_space<hbm>> -> memref<2621440x16xf32, #tpu.memory_space<hbm>>
    tpu.wait_indirect_dma semaphore(%arg9 : memref<!tpu.dma_semaphore, #tpu.memory_space<semaphore_mem>>) src(%dma_wait3A_46 : memref<2621440x16xf32, #tpu.memory_space<hbm>>) dst(%arg7 : memref<2048x16xf32, #tpu.memory_space<vmem>>)
    %add3A_47 = arith.constant 6144 : i32
    %add3A_48 = arith.addi %mul3A_2, %add3A_47 : i32
    "tpu.region"() ({
      %run_scoped3A = tpu.sem_alloc : memref<!tpu.dma_semaphore, #tpu.memory_space<semaphore_mem>>
      %dma_start3A_49 = arith.constant 0 : i32
      %dma_start3A_50 = tpu.memref_slice %arg4[%add3A_48, %dma_start3A_49] : memref<262144x16xf32, #tpu.memory_space<hbm>> -> memref<2048x16xf32, #tpu.memory_space<hbm>>
      %dma_start3A_51 = arith.constant 0 : i32
      %dma_start3A_52 = tpu.memref_slice %arg4[%add3A_48, %dma_start3A_51] : memref<262144x16xf32, #tpu.memory_space<hbm>> -> memref<2048x16xf32, #tpu.memory_space<hbm>>
      tpu.enqueue_dma source(%arg7 : memref<2048x16xf32, #tpu.memory_space<vmem>>) target(%dma_start3A_52 : memref<2048x16xf32, #tpu.memory_space<hbm>>) target_semaphore(%run_scoped3A : memref<!tpu.dma_semaphore, #tpu.memory_space<semaphore_mem>>)
      %dma_wait3A_53 = arith.constant 0 : i32
      %dma_wait3A_54 = tpu.memref_slice %arg4[%add3A_48, %dma_wait3A_53] : memref<262144x16xf32, #tpu.memory_space<hbm>> -> memref<2048x16xf32, #tpu.memory_space<hbm>>
      %dma_wait3A_55 = arith.constant 0 : i32
      %dma_wait3A_56 = tpu.memref_slice %arg4[%add3A_48, %dma_wait3A_55] : memref<262144x16xf32, #tpu.memory_space<hbm>> -> memref<2048x16xf32, #tpu.memory_space<hbm>>
      tpu.wait_dma2 semaphore(%run_scoped3A : memref<!tpu.dma_semaphore, #tpu.memory_space<semaphore_mem>>) src(%arg7 : memref<2048x16xf32, #tpu.memory_space<vmem>>) dst(%dma_wait3A_56 : memref<2048x16xf32, #tpu.memory_space<hbm>>)
      tpu.yield
    }) : () -> ()
    return
  }
}

module attributes {stable_mosaic.version = 14 : i64} {
  func.func @_pack_body(%arg0: i32, %arg1: memref<16x32768xf32, #tpu.memory_space<vmem>>, %arg2: memref<4096x128xf32, #tpu.memory_space<vmem>>) attributes {dimension_semantics = [#tpu.dimension_semantics<arbitrary>], iteration_bounds = array<i64: 80>, scalar_prefetch = 0 : i64, scratch_operands = 0 : i64, tpu.core_type = #tpu.core_type<tc>, window_params = [{transform_indices = @transform_0, window_bounds = array<i64: 16, 32768>}, {transform_indices = @transform_1, window_bounds = array<i64: 4096, 128>}]} {
    %get3A = arith.constant 0 : index
    %get3A_0 = arith.constant 0 : index
    %get3A_1 = vector.load %arg1[%get3A, %get3A_0] : memref<16x32768xf32, #tpu.memory_space<vmem>>, vector<16x32768xf32>
    %slice3A = vector.extract_strided_slice %get3A_1 {offsets = [0, 0], sizes = [16, 4096], strides = [1, 1]} : vector<16x32768xf32> to vector<16x4096xf32>
    %slice3A_2 = vector.extract_strided_slice %get3A_1 {offsets = [0, 4096], sizes = [16, 4096], strides = [1, 1]} : vector<16x32768xf32> to vector<16x4096xf32>
    %slice3A_3 = vector.extract_strided_slice %get3A_1 {offsets = [0, 8192], sizes = [16, 4096], strides = [1, 1]} : vector<16x32768xf32> to vector<16x4096xf32>
    %slice3A_4 = vector.extract_strided_slice %get3A_1 {offsets = [0, 12288], sizes = [16, 4096], strides = [1, 1]} : vector<16x32768xf32> to vector<16x4096xf32>
    %slice3A_5 = vector.extract_strided_slice %get3A_1 {offsets = [0, 16384], sizes = [16, 4096], strides = [1, 1]} : vector<16x32768xf32> to vector<16x4096xf32>
    %slice3A_6 = vector.extract_strided_slice %get3A_1 {offsets = [0, 20480], sizes = [16, 4096], strides = [1, 1]} : vector<16x32768xf32> to vector<16x4096xf32>
    %slice3A_7 = vector.extract_strided_slice %get3A_1 {offsets = [0, 24576], sizes = [16, 4096], strides = [1, 1]} : vector<16x32768xf32> to vector<16x4096xf32>
    %slice3A_8 = vector.extract_strided_slice %get3A_1 {offsets = [0, 28672], sizes = [16, 4096], strides = [1, 1]} : vector<16x32768xf32> to vector<16x4096xf32>
    %concatenate3A = tpu.concatenate %slice3A, %slice3A_2, %slice3A_3, %slice3A_4, %slice3A_5, %slice3A_6, %slice3A_7, %slice3A_8 in 0 : vector<16x4096xf32>, vector<16x4096xf32>, vector<16x4096xf32>, vector<16x4096xf32>, vector<16x4096xf32>, vector<16x4096xf32>, vector<16x4096xf32>, vector<16x4096xf32> -> vector<128x4096xf32>
    %transpose3A = tpu.transpose %concatenate3A, [1, 0] : vector<128x4096xf32> -> vector<4096x128xf32>
    %swap3A = arith.constant 0 : index
    %swap3A_9 = arith.constant 0 : index
    %swap3A_10 = vector.load %arg2[%swap3A, %swap3A_9] : memref<4096x128xf32, #tpu.memory_space<vmem>>, vector<4096x128xf32>
    tpu.vector_store %arg2[%swap3A, %swap3A_9], %transpose3A {strides = array<i32>} : memref<4096x128xf32, #tpu.memory_space<vmem>>, vector<4096x128xf32>,
    return
  }
  func.func @transform_0(%arg0: i32) -> (i32, i32) {
    %c0_i32 = arith.constant 0 : i32
    %c0_i32_0 = arith.constant 0 : i32
    return %c0_i32, %arg0 : i32, i32
  }
  func.func @transform_1(%arg0: i32) -> (i32, i32) {
    %c0_i32 = arith.constant 0 : i32
    %c0_i32_0 = arith.constant 0 : i32
    return %arg0, %c0_i32 : i32, i32
  }
}

module attributes {stable_mosaic.version = 14 : i64} {
  func.func @_tc_body(%arg0: i32, %arg1: memref<256x8x128xf32, #tpu.memory_space<vmem>>, %arg2: memref<512x325xf32, #tpu.memory_space<vmem>>, %arg3: memref<512x1xf32, #tpu.memory_space<vmem>>, %arg4: memref<256x512xf32, #tpu.memory_space<vmem>>, %arg5: memref<256x1xf32, #tpu.memory_space<vmem>>, %arg6: memref<1x256xf32, #tpu.memory_space<vmem>>, %arg7: memref<1x1xf32, #tpu.memory_space<vmem>>, %arg8: memref<1x512xf32, #tpu.memory_space<vmem>>) attributes {dimension_semantics = [#tpu.dimension_semantics<arbitrary>], iteration_bounds = array<i64: 16>, scalar_prefetch = 0 : i64, scratch_operands = 0 : i64, tpu.core_type = #tpu.core_type<tc>, window_params = [{transform_indices = @transform_0, window_bounds = array<i64: 256, 8, 128>}, {pipeline_mode = #tpu.pipeline_mode<synchronous>, transform_indices = @transform_1, window_bounds = array<i64: 512, 325>}, {pipeline_mode = #tpu.pipeline_mode<synchronous>, transform_indices = @transform_2, window_bounds = array<i64: 512, 1>}, {pipeline_mode = #tpu.pipeline_mode<synchronous>, transform_indices = @transform_3, window_bounds = array<i64: 256, 512>}, {pipeline_mode = #tpu.pipeline_mode<synchronous>, transform_indices = @transform_4, window_bounds = array<i64: 256, 1>}, {pipeline_mode = #tpu.pipeline_mode<synchronous>, transform_indices = @transform_5, window_bounds = array<i64: 1, 256>}, {pipeline_mode = #tpu.pipeline_mode<synchronous>, transform_indices = @transform_6, window_bounds = array<i64: 1, 1>}, {transform_indices = @transform_7, window_bounds = array<i64: 1, 512>}]} {
    %get3A = arith.constant 0 : index
    %get3A_0 = arith.constant 0 : index
    %get3A_1 = arith.constant 0 : index
    %get3A_2 = vector.load %arg1[%get3A, %get3A_0, %get3A_1] : memref<256x8x128xf32, #tpu.memory_space<vmem>>, vector<256x1x128xf32>
    %get3A_3 = arith.constant 0 : index
    %get3A_4 = arith.constant 4 : index
    %get3A_5 = arith.constant 0 : index
    %get3A_6 = vector.load %arg1[%get3A_3, %get3A_4, %get3A_5] : memref<256x8x128xf32, #tpu.memory_space<vmem>>, vector<256x1x128xf32>
    %concatenate3A = tpu.concatenate %get3A_2, %get3A_6 in 1 : vector<256x1x128xf32>, vector<256x1x128xf32> -> vector<256x2x128xf32>
    %reshape3A = vector.shape_cast %concatenate3A : vector<256x2x128xf32> to vector<512x128xf32>
    %transpose3A = tpu.transpose %reshape3A, [1, 0] : vector<512x128xf32> -> vector<128x512xf32>
    %get3A_7 = arith.constant 0 : index
    %get3A_8 = arith.constant 1 : index
    %get3A_9 = arith.constant 0 : index
    %get3A_10 = vector.load %arg1[%get3A_7, %get3A_8, %get3A_9] : memref<256x8x128xf32, #tpu.memory_space<vmem>>, vector<256x1x128xf32>
    %get3A_11 = arith.constant 0 : index
    %get3A_12 = arith.constant 5 : index
    %get3A_13 = arith.constant 0 : index
    %get3A_14 = vector.load %arg1[%get3A_11, %get3A_12, %get3A_13] : memref<256x8x128xf32, #tpu.memory_space<vmem>>, vector<256x1x128xf32>
    %concatenate3A_15 = tpu.concatenate %get3A_10, %get3A_14 in 1 : vector<256x1x128xf32>, vector<256x1x128xf32> -> vector<256x2x128xf32>
    %reshape3A_16 = vector.shape_cast %concatenate3A_15 : vector<256x2x128xf32> to vector<512x128xf32>
    %transpose3A_17 = tpu.transpose %reshape3A_16, [1, 0] : vector<512x128xf32> -> vector<128x512xf32>
    %get3A_18 = arith.constant 0 : index
    %get3A_19 = arith.constant 2 : index
    %get3A_20 = arith.constant 0 : index
    %get3A_21 = vector.load %arg1[%get3A_18, %get3A_19, %get3A_20] : memref<256x8x128xf32, #tpu.memory_space<vmem>>, vector<256x1x128xf32>
    %get3A_22 = arith.constant 0 : index
    %get3A_23 = arith.constant 6 : index
    %get3A_24 = arith.constant 0 : index
    %get3A_25 = vector.load %arg1[%get3A_22, %get3A_23, %get3A_24] : memref<256x8x128xf32, #tpu.memory_space<vmem>>, vector<256x1x128xf32>
    %concatenate3A_26 = tpu.concatenate %get3A_21, %get3A_25 in 1 : vector<256x1x128xf32>, vector<256x1x128xf32> -> vector<256x2x128xf32>
    %reshape3A_27 = vector.shape_cast %concatenate3A_26 : vector<256x2x128xf32> to vector<512x128xf32>
    %transpose3A_28 = tpu.transpose %reshape3A_27, [1, 0] : vector<512x128xf32> -> vector<128x512xf32>
    %get3A_29 = arith.constant 0 : index
    %get3A_30 = arith.constant 3 : index
    %get3A_31 = arith.constant 0 : index
    %get3A_32 = vector.load %arg1[%get3A_29, %get3A_30, %get3A_31] : memref<256x8x128xf32, #tpu.memory_space<vmem>>, vector<256x1x128xf32>
    %get3A_33 = arith.constant 0 : index
    %get3A_34 = arith.constant 7 : index
    %get3A_35 = arith.constant 0 : index
    %get3A_36 = vector.load %arg1[%get3A_33, %get3A_34, %get3A_35] : memref<256x8x128xf32, #tpu.memory_space<vmem>>, vector<256x1x128xf32>
    %concatenate3A_37 = tpu.concatenate %get3A_32, %get3A_36 in 1 : vector<256x1x128xf32>, vector<256x1x128xf32> -> vector<256x2x128xf32>
    %reshape3A_38 = vector.shape_cast %concatenate3A_37 : vector<256x2x128xf32> to vector<512x128xf32>
    %transpose3A_39 = tpu.transpose %reshape3A_38, [1, 0] : vector<512x128xf32> -> vector<128x512xf32>
    %concatenate3A_40 = tpu.concatenate %transpose3A, %transpose3A_17, %transpose3A_28, %transpose3A_39 in 0 : vector<128x512xf32>, vector<128x512xf32>, vector<128x512xf32>, vector<128x512xf32> -> vector<512x512xf32>
    %slice3A = vector.extract_strided_slice %concatenate3A_40 {offsets = [0, 0], sizes = [400, 512], strides = [1, 1]} : vector<512x512xf32> to vector<400x512xf32>
    %slice3A_41 = vector.extract_strided_slice %concatenate3A_40 {offsets = [16, 0], sizes = [400, 512], strides = [1, 1]} : vector<512x512xf32> to vector<400x512xf32>
    %mul3A = arith.mulf %slice3A, %slice3A_41 : vector<400x512xf32>
    %reshape3A_42 = vector.shape_cast %mul3A : vector<400x512xf32> to vector<25x16x512xf32>
    %reduce_sum3A = arith.constant dense<0.000000e+00> : vector<25x512xf32>
    %reduce_sum3A_43 = vector.multi_reduction <add>, %reshape3A_42, %reduce_sum3A [1] : vector<25x16x512xf32> to vector<25x512xf32>
    %slice3A_44 = vector.extract_strided_slice %concatenate3A_40 {offsets = [0, 0], sizes = [384, 512], strides = [1, 1]} : vector<512x512xf32> to vector<384x512xf32>
    %slice3A_45 = vector.extract_strided_slice %concatenate3A_40 {offsets = [32, 0], sizes = [384, 512], strides = [1, 1]} : vector<512x512xf32> to vector<384x512xf32>
    %mul3A_46 = arith.mulf %slice3A_44, %slice3A_45 : vector<384x512xf32>
    %reshape3A_47 = vector.shape_cast %mul3A_46 : vector<384x512xf32> to vector<24x16x512xf32>
    %reduce_sum3A_48 = arith.constant dense<0.000000e+00> : vector<24x512xf32>
    %reduce_sum3A_49 = vector.multi_reduction <add>, %reshape3A_47, %reduce_sum3A_48 [1] : vector<24x16x512xf32> to vector<24x512xf32>
    %slice3A_50 = vector.extract_strided_slice %concatenate3A_40 {offsets = [0, 0], sizes = [368, 512], strides = [1, 1]} : vector<512x512xf32> to vector<368x512xf32>
    %slice3A_51 = vector.extract_strided_slice %concatenate3A_40 {offsets = [48, 0], sizes = [368, 512], strides = [1, 1]} : vector<512x512xf32> to vector<368x512xf32>
    %mul3A_52 = arith.mulf %slice3A_50, %slice3A_51 : vector<368x512xf32>
    %reshape3A_53 = vector.shape_cast %mul3A_52 : vector<368x512xf32> to vector<23x16x512xf32>
    %reduce_sum3A_54 = arith.constant dense<0.000000e+00> : vector<23x512xf32>
    %reduce_sum3A_55 = vector.multi_reduction <add>, %reshape3A_53, %reduce_sum3A_54 [1] : vector<23x16x512xf32> to vector<23x512xf32>
    %slice3A_56 = vector.extract_strided_slice %concatenate3A_40 {offsets = [0, 0], sizes = [352, 512], strides = [1, 1]} : vector<512x512xf32> to vector<352x512xf32>
    %slice3A_57 = vector.extract_strided_slice %concatenate3A_40 {offsets = [64, 0], sizes = [352, 512], strides = [1, 1]} : vector<512x512xf32> to vector<352x512xf32>
    %mul3A_58 = arith.mulf %slice3A_56, %slice3A_57 : vector<352x512xf32>
    %reshape3A_59 = vector.shape_cast %mul3A_58 : vector<352x512xf32> to vector<22x16x512xf32>
    %reduce_sum3A_60 = arith.constant dense<0.000000e+00> : vector<22x512xf32>
    %reduce_sum3A_61 = vector.multi_reduction <add>, %reshape3A_59, %reduce_sum3A_60 [1] : vector<22x16x512xf32> to vector<22x512xf32>
    %slice3A_62 = vector.extract_strided_slice %concatenate3A_40 {offsets = [0, 0], sizes = [336, 512], strides = [1, 1]} : vector<512x512xf32> to vector<336x512xf32>
    %slice3A_63 = vector.extract_strided_slice %concatenate3A_40 {offsets = [80, 0], sizes = [336, 512], strides = [1, 1]} : vector<512x512xf32> to vector<336x512xf32>
    %mul3A_64 = arith.mulf %slice3A_62, %slice3A_63 : vector<336x512xf32>
    %reshape3A_65 = vector.shape_cast %mul3A_64 : vector<336x512xf32> to vector<21x16x512xf32>
    %reduce_sum3A_66 = arith.constant dense<0.000000e+00> : vector<21x512xf32>
    %reduce_sum3A_67 = vector.multi_reduction <add>, %reshape3A_65, %reduce_sum3A_66 [1] : vector<21x16x512xf32> to vector<21x512xf32>
    %slice3A_68 = vector.extract_strided_slice %concatenate3A_40 {offsets = [0, 0], sizes = [320, 512], strides = [1, 1]} : vector<512x512xf32> to vector<320x512xf32>
    %slice3A_69 = vector.extract_strided_slice %concatenate3A_40 {offsets = [96, 0], sizes = [320, 512], strides = [1, 1]} : vector<512x512xf32> to vector<320x512xf32>
    %mul3A_70 = arith.mulf %slice3A_68, %slice3A_69 : vector<320x512xf32>
    %reshape3A_71 = vector.shape_cast %mul3A_70 : vector<320x512xf32> to vector<20x16x512xf32>
    %reduce_sum3A_72 = arith.constant dense<0.000000e+00> : vector<20x512xf32>
    %reduce_sum3A_73 = vector.multi_reduction <add>, %reshape3A_71, %reduce_sum3A_72 [1] : vector<20x16x512xf32> to vector<20x512xf32>
    %slice3A_74 = vector.extract_strided_slice %concatenate3A_40 {offsets = [0, 0], sizes = [304, 512], strides = [1, 1]} : vector<512x512xf32> to vector<304x512xf32>
    %slice3A_75 = vector.extract_strided_slice %concatenate3A_40 {offsets = [112, 0], sizes = [304, 512], strides = [1, 1]} : vector<512x512xf32> to vector<304x512xf32>
    %mul3A_76 = arith.mulf %slice3A_74, %slice3A_75 : vector<304x512xf32>
    %reshape3A_77 = vector.shape_cast %mul3A_76 : vector<304x512xf32> to vector<19x16x512xf32>
    %reduce_sum3A_78 = arith.constant dense<0.000000e+00> : vector<19x512xf32>
    %reduce_sum3A_79 = vector.multi_reduction <add>, %reshape3A_77, %reduce_sum3A_78 [1] : vector<19x16x512xf32> to vector<19x512xf32>
    %slice3A_80 = vector.extract_strided_slice %concatenate3A_40 {offsets = [0, 0], sizes = [288, 512], strides = [1, 1]} : vector<512x512xf32> to vector<288x512xf32>
    %slice3A_81 = vector.extract_strided_slice %concatenate3A_40 {offsets = [128, 0], sizes = [288, 512], strides = [1, 1]} : vector<512x512xf32> to vector<288x512xf32>
    %mul3A_82 = arith.mulf %slice3A_80, %slice3A_81 : vector<288x512xf32>
    %reshape3A_83 = vector.shape_cast %mul3A_82 : vector<288x512xf32> to vector<18x16x512xf32>
    %reduce_sum3A_84 = arith.constant dense<0.000000e+00> : vector<18x512xf32>
    %reduce_sum3A_85 = vector.multi_reduction <add>, %reshape3A_83, %reduce_sum3A_84 [1] : vector<18x16x512xf32> to vector<18x512xf32>
    %slice3A_86 = vector.extract_strided_slice %concatenate3A_40 {offsets = [0, 0], sizes = [272, 512], strides = [1, 1]} : vector<512x512xf32> to vector<272x512xf32>
    %slice3A_87 = vector.extract_strided_slice %concatenate3A_40 {offsets = [144, 0], sizes = [272, 512], strides = [1, 1]} : vector<512x512xf32> to vector<272x512xf32>
    %mul3A_88 = arith.mulf %slice3A_86, %slice3A_87 : vector<272x512xf32>
    %reshape3A_89 = vector.shape_cast %mul3A_88 : vector<272x512xf32> to vector<17x16x512xf32>
    %reduce_sum3A_90 = arith.constant dense<0.000000e+00> : vector<17x512xf32>
    %reduce_sum3A_91 = vector.multi_reduction <add>, %reshape3A_89, %reduce_sum3A_90 [1] : vector<17x16x512xf32> to vector<17x512xf32>
    %slice3A_92 = vector.extract_strided_slice %concatenate3A_40 {offsets = [0, 0], sizes = [256, 512], strides = [1, 1]} : vector<512x512xf32> to vector<256x512xf32>
    %slice3A_93 = vector.extract_strided_slice %concatenate3A_40 {offsets = [160, 0], sizes = [256, 512], strides = [1, 1]} : vector<512x512xf32> to vector<256x512xf32>
    %mul3A_94 = arith.mulf %slice3A_92, %slice3A_93 : vector<256x512xf32>
    %reshape3A_95 = vector.shape_cast %mul3A_94 : vector<256x512xf32> to vector<16x16x512xf32>
    %reduce_sum3A_96 = arith.constant dense<0.000000e+00> : vector<16x512xf32>
    %reduce_sum3A_97 = vector.multi_reduction <add>, %reshape3A_95, %reduce_sum3A_96 [1] : vector<16x16x512xf32> to vector<16x512xf32>
    %slice3A_98 = vector.extract_strided_slice %concatenate3A_40 {offsets = [0, 0], sizes = [240, 512], strides = [1, 1]} : vector<512x512xf32> to vector<240x512xf32>
    %slice3A_99 = vector.extract_strided_slice %concatenate3A_40 {offsets = [176, 0], sizes = [240, 512], strides = [1, 1]} : vector<512x512xf32> to vector<240x512xf32>
    %mul3A_100 = arith.mulf %slice3A_98, %slice3A_99 : vector<240x512xf32>
    %reshape3A_101 = vector.shape_cast %mul3A_100 : vector<240x512xf32> to vector<15x16x512xf32>
    %reduce_sum3A_102 = arith.constant dense<0.000000e+00> : vector<15x512xf32>
    %reduce_sum3A_103 = vector.multi_reduction <add>, %reshape3A_101, %reduce_sum3A_102 [1] : vector<15x16x512xf32> to vector<15x512xf32>
    %slice3A_104 = vector.extract_strided_slice %concatenate3A_40 {offsets = [0, 0], sizes = [224, 512], strides = [1, 1]} : vector<512x512xf32> to vector<224x512xf32>
    %slice3A_105 = vector.extract_strided_slice %concatenate3A_40 {offsets = [192, 0], sizes = [224, 512], strides = [1, 1]} : vector<512x512xf32> to vector<224x512xf32>
    %mul3A_106 = arith.mulf %slice3A_104, %slice3A_105 : vector<224x512xf32>
    %reshape3A_107 = vector.shape_cast %mul3A_106 : vector<224x512xf32> to vector<14x16x512xf32>
    %reduce_sum3A_108 = arith.constant dense<0.000000e+00> : vector<14x512xf32>
    %reduce_sum3A_109 = vector.multi_reduction <add>, %reshape3A_107, %reduce_sum3A_108 [1] : vector<14x16x512xf32> to vector<14x512xf32>
    %slice3A_110 = vector.extract_strided_slice %concatenate3A_40 {offsets = [0, 0], sizes = [208, 512], strides = [1, 1]} : vector<512x512xf32> to vector<208x512xf32>
    %slice3A_111 = vector.extract_strided_slice %concatenate3A_40 {offsets = [208, 0], sizes = [208, 512], strides = [1, 1]} : vector<512x512xf32> to vector<208x512xf32>
    %mul3A_112 = arith.mulf %slice3A_110, %slice3A_111 : vector<208x512xf32>
    %reshape3A_113 = vector.shape_cast %mul3A_112 : vector<208x512xf32> to vector<13x16x512xf32>
    %reduce_sum3A_114 = arith.constant dense<0.000000e+00> : vector<13x512xf32>
    %reduce_sum3A_115 = vector.multi_reduction <add>, %reshape3A_113, %reduce_sum3A_114 [1] : vector<13x16x512xf32> to vector<13x512xf32>
    %slice3A_116 = vector.extract_strided_slice %concatenate3A_40 {offsets = [0, 0], sizes = [192, 512], strides = [1, 1]} : vector<512x512xf32> to vector<192x512xf32>
    %slice3A_117 = vector.extract_strided_slice %concatenate3A_40 {offsets = [224, 0], sizes = [192, 512], strides = [1, 1]} : vector<512x512xf32> to vector<192x512xf32>
    %mul3A_118 = arith.mulf %slice3A_116, %slice3A_117 : vector<192x512xf32>
    %reshape3A_119 = vector.shape_cast %mul3A_118 : vector<192x512xf32> to vector<12x16x512xf32>
    %reduce_sum3A_120 = arith.constant dense<0.000000e+00> : vector<12x512xf32>
    %reduce_sum3A_121 = vector.multi_reduction <add>, %reshape3A_119, %reduce_sum3A_120 [1] : vector<12x16x512xf32> to vector<12x512xf32>
    %slice3A_122 = vector.extract_strided_slice %concatenate3A_40 {offsets = [0, 0], sizes = [176, 512], strides = [1, 1]} : vector<512x512xf32> to vector<176x512xf32>
    %slice3A_123 = vector.extract_strided_slice %concatenate3A_40 {offsets = [240, 0], sizes = [176, 512], strides = [1, 1]} : vector<512x512xf32> to vector<176x512xf32>
    %mul3A_124 = arith.mulf %slice3A_122, %slice3A_123 : vector<176x512xf32>
    %reshape3A_125 = vector.shape_cast %mul3A_124 : vector<176x512xf32> to vector<11x16x512xf32>
    %reduce_sum3A_126 = arith.constant dense<0.000000e+00> : vector<11x512xf32>
    %reduce_sum3A_127 = vector.multi_reduction <add>, %reshape3A_125, %reduce_sum3A_126 [1] : vector<11x16x512xf32> to vector<11x512xf32>
    %slice3A_128 = vector.extract_strided_slice %concatenate3A_40 {offsets = [0, 0], sizes = [160, 512], strides = [1, 1]} : vector<512x512xf32> to vector<160x512xf32>
    %slice3A_129 = vector.extract_strided_slice %concatenate3A_40 {offsets = [256, 0], sizes = [160, 512], strides = [1, 1]} : vector<512x512xf32> to vector<160x512xf32>
    %mul3A_130 = arith.mulf %slice3A_128, %slice3A_129 : vector<160x512xf32>
    %reshape3A_131 = vector.shape_cast %mul3A_130 : vector<160x512xf32> to vector<10x16x512xf32>
    %reduce_sum3A_132 = arith.constant dense<0.000000e+00> : vector<10x512xf32>
    %reduce_sum3A_133 = vector.multi_reduction <add>, %reshape3A_131, %reduce_sum3A_132 [1] : vector<10x16x512xf32> to vector<10x512xf32>
    %slice3A_134 = vector.extract_strided_slice %concatenate3A_40 {offsets = [0, 0], sizes = [144, 512], strides = [1, 1]} : vector<512x512xf32> to vector<144x512xf32>
    %slice3A_135 = vector.extract_strided_slice %concatenate3A_40 {offsets = [272, 0], sizes = [144, 512], strides = [1, 1]} : vector<512x512xf32> to vector<144x512xf32>
    %mul3A_136 = arith.mulf %slice3A_134, %slice3A_135 : vector<144x512xf32>
    %reshape3A_137 = vector.shape_cast %mul3A_136 : vector<144x512xf32> to vector<9x16x512xf32>
    %reduce_sum3A_138 = arith.constant dense<0.000000e+00> : vector<9x512xf32>
    %reduce_sum3A_139 = vector.multi_reduction <add>, %reshape3A_137, %reduce_sum3A_138 [1] : vector<9x16x512xf32> to vector<9x512xf32>
    %slice3A_140 = vector.extract_strided_slice %concatenate3A_40 {offsets = [0, 0], sizes = [128, 512], strides = [1, 1]} : vector<512x512xf32> to vector<128x512xf32>
    %slice3A_141 = vector.extract_strided_slice %concatenate3A_40 {offsets = [288, 0], sizes = [128, 512], strides = [1, 1]} : vector<512x512xf32> to vector<128x512xf32>
    %mul3A_142 = arith.mulf %slice3A_140, %slice3A_141 : vector<128x512xf32>
    %reshape3A_143 = vector.shape_cast %mul3A_142 : vector<128x512xf32> to vector<8x16x512xf32>
    %reduce_sum3A_144 = arith.constant dense<0.000000e+00> : vector<8x512xf32>
    %reduce_sum3A_145 = vector.multi_reduction <add>, %reshape3A_143, %reduce_sum3A_144 [1] : vector<8x16x512xf32> to vector<8x512xf32>
    %slice3A_146 = vector.extract_strided_slice %concatenate3A_40 {offsets = [0, 0], sizes = [112, 512], strides = [1, 1]} : vector<512x512xf32> to vector<112x512xf32>
    %slice3A_147 = vector.extract_strided_slice %concatenate3A_40 {offsets = [304, 0], sizes = [112, 512], strides = [1, 1]} : vector<512x512xf32> to vector<112x512xf32>
    %mul3A_148 = arith.mulf %slice3A_146, %slice3A_147 : vector<112x512xf32>
    %reshape3A_149 = vector.shape_cast %mul3A_148 : vector<112x512xf32> to vector<7x16x512xf32>
    %reduce_sum3A_150 = arith.constant dense<0.000000e+00> : vector<7x512xf32>
    %reduce_sum3A_151 = vector.multi_reduction <add>, %reshape3A_149, %reduce_sum3A_150 [1] : vector<7x16x512xf32> to vector<7x512xf32>
    %slice3A_152 = vector.extract_strided_slice %concatenate3A_40 {offsets = [0, 0], sizes = [96, 512], strides = [1, 1]} : vector<512x512xf32> to vector<96x512xf32>
    %slice3A_153 = vector.extract_strided_slice %concatenate3A_40 {offsets = [320, 0], sizes = [96, 512], strides = [1, 1]} : vector<512x512xf32> to vector<96x512xf32>
    %mul3A_154 = arith.mulf %slice3A_152, %slice3A_153 : vector<96x512xf32>
    %reshape3A_155 = vector.shape_cast %mul3A_154 : vector<96x512xf32> to vector<6x16x512xf32>
    %reduce_sum3A_156 = arith.constant dense<0.000000e+00> : vector<6x512xf32>
    %reduce_sum3A_157 = vector.multi_reduction <add>, %reshape3A_155, %reduce_sum3A_156 [1] : vector<6x16x512xf32> to vector<6x512xf32>
    %slice3A_158 = vector.extract_strided_slice %concatenate3A_40 {offsets = [0, 0], sizes = [80, 512], strides = [1, 1]} : vector<512x512xf32> to vector<80x512xf32>
    %slice3A_159 = vector.extract_strided_slice %concatenate3A_40 {offsets = [336, 0], sizes = [80, 512], strides = [1, 1]} : vector<512x512xf32> to vector<80x512xf32>
    %mul3A_160 = arith.mulf %slice3A_158, %slice3A_159 : vector<80x512xf32>
    %reshape3A_161 = vector.shape_cast %mul3A_160 : vector<80x512xf32> to vector<5x16x512xf32>
    %reduce_sum3A_162 = arith.constant dense<0.000000e+00> : vector<5x512xf32>
    %reduce_sum3A_163 = vector.multi_reduction <add>, %reshape3A_161, %reduce_sum3A_162 [1] : vector<5x16x512xf32> to vector<5x512xf32>
    %slice3A_164 = vector.extract_strided_slice %concatenate3A_40 {offsets = [0, 0], sizes = [64, 512], strides = [1, 1]} : vector<512x512xf32> to vector<64x512xf32>
    %slice3A_165 = vector.extract_strided_slice %concatenate3A_40 {offsets = [352, 0], sizes = [64, 512], strides = [1, 1]} : vector<512x512xf32> to vector<64x512xf32>
    %mul3A_166 = arith.mulf %slice3A_164, %slice3A_165 : vector<64x512xf32>
    %reshape3A_167 = vector.shape_cast %mul3A_166 : vector<64x512xf32> to vector<4x16x512xf32>
    %reduce_sum3A_168 = arith.constant dense<0.000000e+00> : vector<4x512xf32>
    %reduce_sum3A_169 = vector.multi_reduction <add>, %reshape3A_167, %reduce_sum3A_168 [1] : vector<4x16x512xf32> to vector<4x512xf32>
    %slice3A_170 = vector.extract_strided_slice %concatenate3A_40 {offsets = [0, 0], sizes = [48, 512], strides = [1, 1]} : vector<512x512xf32> to vector<48x512xf32>
    %slice3A_171 = vector.extract_strided_slice %concatenate3A_40 {offsets = [368, 0], sizes = [48, 512], strides = [1, 1]} : vector<512x512xf32> to vector<48x512xf32>
    %mul3A_172 = arith.mulf %slice3A_170, %slice3A_171 : vector<48x512xf32>
    %reshape3A_173 = vector.shape_cast %mul3A_172 : vector<48x512xf32> to vector<3x16x512xf32>
    %reduce_sum3A_174 = arith.constant dense<0.000000e+00> : vector<3x512xf32>
    %reduce_sum3A_175 = vector.multi_reduction <add>, %reshape3A_173, %reduce_sum3A_174 [1] : vector<3x16x512xf32> to vector<3x512xf32>
    %slice3A_176 = vector.extract_strided_slice %concatenate3A_40 {offsets = [0, 0], sizes = [32, 512], strides = [1, 1]} : vector<512x512xf32> to vector<32x512xf32>
    %slice3A_177 = vector.extract_strided_slice %concatenate3A_40 {offsets = [384, 0], sizes = [32, 512], strides = [1, 1]} : vector<512x512xf32> to vector<32x512xf32>
    %mul3A_178 = arith.mulf %slice3A_176, %slice3A_177 : vector<32x512xf32>
    %reshape3A_179 = vector.shape_cast %mul3A_178 : vector<32x512xf32> to vector<2x16x512xf32>
    %reduce_sum3A_180 = arith.constant dense<0.000000e+00> : vector<2x512xf32>
    %reduce_sum3A_181 = vector.multi_reduction <add>, %reshape3A_179, %reduce_sum3A_180 [1] : vector<2x16x512xf32> to vector<2x512xf32>
    %slice3A_182 = vector.extract_strided_slice %concatenate3A_40 {offsets = [0, 0], sizes = [16, 512], strides = [1, 1]} : vector<512x512xf32> to vector<16x512xf32>
    %slice3A_183 = vector.extract_strided_slice %concatenate3A_40 {offsets = [400, 0], sizes = [16, 512], strides = [1, 1]} : vector<512x512xf32> to vector<16x512xf32>
    %mul3A_184 = arith.mulf %slice3A_182, %slice3A_183 : vector<16x512xf32>
    %reshape3A_185 = vector.shape_cast %mul3A_184 : vector<16x512xf32> to vector<1x16x512xf32>
    %reduce_sum3A_186 = arith.constant dense<0.000000e+00> : vector<1x512xf32>
    %reduce_sum3A_187 = vector.multi_reduction <add>, %reshape3A_185, %reduce_sum3A_186 [1] : vector<1x16x512xf32> to vector<1x512xf32>
    %concatenate3A_188 = tpu.concatenate %reduce_sum3A_43, %reduce_sum3A_49, %reduce_sum3A_55, %reduce_sum3A_61, %reduce_sum3A_67, %reduce_sum3A_73, %reduce_sum3A_79, %reduce_sum3A_85, %reduce_sum3A_91, %reduce_sum3A_97, %reduce_sum3A_103, %reduce_sum3A_109, %reduce_sum3A_115, %reduce_sum3A_121, %reduce_sum3A_127, %reduce_sum3A_133, %reduce_sum3A_139, %reduce_sum3A_145, %reduce_sum3A_151, %reduce_sum3A_157, %reduce_sum3A_163, %reduce_sum3A_169, %reduce_sum3A_175, %reduce_sum3A_181, %reduce_sum3A_187 in 0 : vector<25x512xf32>, vector<24x512xf32>, vector<23x512xf32>, vector<22x512xf32>, vector<21x512xf32>, vector<20x512xf32>, vector<19x512xf32>, vector<18x512xf32>, vector<17x512xf32>, vector<16x512xf32>, vector<15x512xf32>, vector<14x512xf32>, vector<13x512xf32>, vector<12x512xf32>, vector<11x512xf32>, vector<10x512xf32>, vector<9x512xf32>, vector<8x512xf32>, vector<7x512xf32>, vector<6x512xf32>, vector<5x512xf32>, vector<4x512xf32>, vector<3x512xf32>, vector<2x512xf32>, vector<1x512xf32> -> vector<325x512xf32>
    %get3A_189 = arith.constant 0 : index
    %get3A_190 = arith.constant 0 : index
    %get3A_191 = vector.load %arg2[%get3A_189, %get3A_190] : memref<512x325xf32, #tpu.memory_space<vmem>>, vector<512x325xf32>
    %dot_general3A = arith.constant dense<0.000000e+00> : vector<512x512xf32>
    %dot_general3A_192 = tpu.matmul %get3A_191, %concatenate3A_188, %dot_general3A {dimension_numbers = #tpu.dot_dimension_numbers<[1], [0], [0], [1], [0, 0, 1, 1], [], []>, transpose_lhs_hint = false} : vector<512x325xf32>, vector<325x512xf32>, vector<512x512xf32> -> vector<512x512xf32>
    %get3A_193 = arith.constant 0 : index
    %get3A_194 = arith.constant 0 : index
    %get3A_195 = vector.load %arg3[%get3A_193, %get3A_194] : memref<512x1xf32, #tpu.memory_space<vmem>>, vector<512x1xf32>
    %add3A = vector.broadcast %get3A_195 : vector<512x1xf32> to vector<512x512xf32>
    %add3A_196 = arith.addf %dot_general3A_192, %add3A : vector<512x512xf32>
    %max3A = arith.constant 0.000000e+00 : f32
    %max3A_197 = vector.broadcast %max3A : f32 to vector<512x512xf32>
    %max3A_198 = arith.maximumf %add3A_196, %max3A_197 : vector<512x512xf32>
    %get3A_199 = arith.constant 0 : index
    %get3A_200 = arith.constant 0 : index
    %get3A_201 = vector.load %arg4[%get3A_199, %get3A_200] : memref<256x512xf32, #tpu.memory_space<vmem>>, vector<256x512xf32>
    %dot_general3A_202 = arith.constant dense<0.000000e+00> : vector<256x512xf32>
    %dot_general3A_203 = tpu.matmul %get3A_201, %max3A_198, %dot_general3A_202 {dimension_numbers = #tpu.dot_dimension_numbers<[1], [0], [0], [1], [0, 0, 1, 1], [], []>, transpose_lhs_hint = false} : vector<256x512xf32>, vector<512x512xf32>, vector<256x512xf32> -> vector<256x512xf32>
    %get3A_204 = arith.constant 0 : index
    %get3A_205 = arith.constant 0 : index
    %get3A_206 = vector.load %arg5[%get3A_204, %get3A_205] : memref<256x1xf32, #tpu.memory_space<vmem>>, vector<256x1xf32>
    %add3A_207 = vector.broadcast %get3A_206 : vector<256x1xf32> to vector<256x512xf32>
    %add3A_208 = arith.addf %dot_general3A_203, %add3A_207 : vector<256x512xf32>
    %max3A_209 = arith.constant 0.000000e+00 : f32
    %max3A_210 = vector.broadcast %max3A_209 : f32 to vector<256x512xf32>
    %max3A_211 = arith.maximumf %add3A_208, %max3A_210 : vector<256x512xf32>
    %get3A_212 = arith.constant 0 : index
    %get3A_213 = arith.constant 0 : index
    %get3A_214 = vector.load %arg6[%get3A_212, %get3A_213] : memref<1x256xf32, #tpu.memory_space<vmem>>, vector<1x256xf32>
    %dot_general3A_215 = arith.constant dense<0.000000e+00> : vector<1x512xf32>
    %dot_general3A_216 = tpu.matmul %get3A_214, %max3A_211, %dot_general3A_215 {dimension_numbers = #tpu.dot_dimension_numbers<[1], [0], [0], [1], [0, 0, 1, 1], [], []>, transpose_lhs_hint = false} : vector<1x256xf32>, vector<256x512xf32>, vector<1x512xf32> -> vector<1x512xf32>
    %get3A_217 = arith.constant 0 : index
    %get3A_218 = arith.constant 0 : index
    %get3A_219 = vector.load %arg7[%get3A_217, %get3A_218] : memref<1x1xf32, #tpu.memory_space<vmem>>, vector<1x1xf32>
    %add3A_220 = vector.broadcast %get3A_219 : vector<1x1xf32> to vector<1x512xf32>
    %add3A_221 = arith.addf %dot_general3A_216, %add3A_220 : vector<1x512xf32>
    %logistic3A = arith.negf %add3A_221 : vector<1x512xf32>
    %logistic3A_222 = math.exp %logistic3A : vector<1x512xf32>
    %logistic3A_223 = arith.constant 1.000000e+00 : f32
    %logistic3A_224 = vector.broadcast %logistic3A_223 : f32 to vector<1x512xf32>
    %logistic3A_225 = arith.addf %logistic3A_224, %logistic3A_222 : vector<1x512xf32>
    %logistic3A_226 = arith.divf %logistic3A_224, %logistic3A_225 : vector<1x512xf32>
    %swap3A = arith.constant 0 : index
    %swap3A_227 = arith.constant 0 : index
    %swap3A_228 = vector.load %arg8[%swap3A, %swap3A_227] : memref<1x512xf32, #tpu.memory_space<vmem>>, vector<1x512xf32>
    tpu.vector_store %arg8[%swap3A, %swap3A_227], %logistic3A_226 {strides = array<i32>} : memref<1x512xf32, #tpu.memory_space<vmem>>, vector<1x512xf32>,
    return
  }
  func.func @transform_0(%arg0: i32) -> (i32, i32, i32) {
    %c0_i32 = arith.constant 0 : i32
    %c0_i32_0 = arith.constant 0 : i32
    %c0_i32_1 = arith.constant 0 : i32
    return %arg0, %c0_i32, %c0_i32_0 : i32, i32, i32
  }
  func.func @transform_1(%arg0: i32) -> (i32, i32) {
    %c0_i32 = arith.constant 0 : i32
    %c0_i32_0 = arith.constant 0 : i32
    %c0_i32_1 = arith.constant 0 : i32
    return %c0_i32, %c0_i32_0 : i32, i32
  }
  func.func @transform_2(%arg0: i32) -> (i32, i32) {
    %c0_i32 = arith.constant 0 : i32
    %c0_i32_0 = arith.constant 0 : i32
    %c0_i32_1 = arith.constant 0 : i32
    return %c0_i32, %c0_i32_0 : i32, i32
  }
  func.func @transform_3(%arg0: i32) -> (i32, i32) {
    %c0_i32 = arith.constant 0 : i32
    %c0_i32_0 = arith.constant 0 : i32
    %c0_i32_1 = arith.constant 0 : i32
    return %c0_i32, %c0_i32_0 : i32, i32
  }
  func.func @transform_4(%arg0: i32) -> (i32, i32) {
    %c0_i32 = arith.constant 0 : i32
    %c0_i32_0 = arith.constant 0 : i32
    %c0_i32_1 = arith.constant 0 : i32
    return %c0_i32, %c0_i32_0 : i32, i32
  }
  func.func @transform_5(%arg0: i32) -> (i32, i32) {
    %c0_i32 = arith.constant 0 : i32
    %c0_i32_0 = arith.constant 0 : i32
    %c0_i32_1 = arith.constant 0 : i32
    return %c0_i32, %c0_i32_0 : i32, i32
  }
  func.func @transform_6(%arg0: i32) -> (i32, i32) {
    %c0_i32 = arith.constant 0 : i32
    %c0_i32_0 = arith.constant 0 : i32
    %c0_i32_1 = arith.constant 0 : i32
    return %c0_i32, %c0_i32_0 : i32, i32
  }
  func.func @transform_7(%arg0: i32) -> (i32, i32) {
    %c0_i32 = arith.constant 0 : i32
    %c0_i32_0 = arith.constant 0 : i32
    return %c0_i32, %arg0 : i32, i32
  }
}

</mosaic_0001>

<sc_bundles>
// kernel: kernel.10.cloned.1.call-start
scs
__scs_entry_jumppad:
0x0: {  	(pc) =	sbr.rel $0x88, $3  }
0x1: {  	(tag) =	ssettag $0x0;
	lr =	simm.s32 $0x1  }
0x2: {  	[smem:$0x3F99] =	sst lr;
	_ =	strace $0xD0000000  }
0x3: {  	_ = 	snop  }
0x4: {  	_ = 	snop  }
0x5: {  	_ = 	snop  }
0x6: {  	_ = 	snop  }
0x7: {  	_ = 	snop  }
__scs_overlays_trampoline_lowered:
0x8: {  	[smem:$0x3FA8] =	sst s0  }
0x9: {  	[smem:$0x3FA9] =	sst s1  }
0xa: {  	[smem:$0x3FAA] =	sst s2  }
0xb: {  	[smem:$0x3FAB] =	sst s3  }
0xc: {  	[smem:$0x3FAC] =	sst s4  }
0xd: {  	[smem:$0x3FAD] =	sst s5  }
0xe: {  	[smem:$0x3FAE] =	sst s6  }
0xf: {  	[smem:$0x3FAF] =	sst s7  }
0x10: {  	[smem:$0x3FB0] =	sst s8  }
0x11: {  	[smem:$0x3FB1] =	sst s9;
	s0 =	simm.s32 @!p0 $0x0  }
0x12: {  	s1 =	sld [smem:$0x3F97];
	s0 =	simm.s32 @p0 $0x1  }
0x13: {  	[smem:$0x3FB2] =	sst s0;
	s0 =	simm.s32 @!p1 $0x0  }
0x14: {  	s2 =	sld [smem:$0x3F96];
	s0 =	simm.s32 @p1 $0x1  }
0x15: {  	[smem:$0x3FB3] =	sst s0;
	s0 =	simm.s32 @!p2 $0x0  }
0x16: {  	s3 =	sld [smem:$0x3FDB];
	s0 =	simm.s32 @p2 $0x1  }
0x17: {  	s4 =	simm.s32 $0x1BF5;
	[smem:$0x3FB5] =	sst s0  }
0x18: {  	s0 =	sld [smem:$0x3F98];
	_ =	swait.ge [sflag:s4], $0x0  }
0x19: {  	s7 =	sld [smem:$0x3F99]  }
0x1a: {  	s8 =	sadd.s32 $0xFFFFE003, lr  }
0x1b: {  	s9 =	sadd.s32 $0xFFFFFEF7, lr;
	s5 =	simm.s32 $0xFFFFFFFF;
	p2 =	slt.u32 s8, $0xFFFFF086  }
0x1c: {  	p1 =	slt.u32 s9, $0xF7A;
	s5 =	simm.s32 @!p2 $0x0  }
0x1d: {  	s5 =	simm.s32 @p1 $0x1;
	p0 =	seq.s32 s7, s2  }
0x1e: {  	s7 =	smul.u32 @!p0 $0xF7A, s2;
	p2 =	seq.s32 @!p0 s5, $0x0  }
0x1f: {  	s9 =	smul.u32 $0xF7A, s1;
	s8 =	simm.s32 @!p0 $0x1BF5;
	p2 =	por !p2, p0  }
0x20: {  	[sflag:s8] =	ssyncset.s32 @!p0 $0xFFFFF086;
	s6 =	sadd.s32 @!p0 s3, s7;
	s7 =	simm.s32 @!p0 $0x108  }
0x21: {  	s3 =	sadd.s32 s3, s9;
	s6 =	sadd.s32 @!p0 $0x88, s6;
	s7 =	simm.s32 @p2 $0x1082  }
0x22: {  	[simem:s7], [sflag:s8] =	dma.local @!p0 [hbm:s6], $0xF7A  }
0x23: {  	s9 =	sor.u32 $0xD0000000, s2;
	s6 =	simm.s32 $0x108;
	_ =	swait.ge @!p0 [sflag:s8], $0x0  }
0x24: {  	s3 =	sadd.s32 $0x88, s3;
	s6 =	simm.s32 @!p1 $0x1082;
	[sflag:s4] =	ssyncset.s32 $0xFFFFF086  }
0x25: {  	[simem:s6], [sflag:s4] =	dma.local [hbm:s3], $0xF7A  }
0x26: {  	[smem:$0x3F99] =	sst s1;
	(tag) =	ssettag s2;
	_ =	strace s9  }
0x27: {  	s1 =	sld [smem:$0x3FA9]  }
0x28: {  	s2 =	sld [smem:$0x3FAA]  }
0x29: {  	s4 =	sld [smem:$0x3FAC]  }
0x2a: {  	p0 =	seq.s32 s5, $0x0;
	s5 =	sld [smem:$0x3FAD]  }
0x2b: {  	s6 =	sld [smem:$0x3FAE]  }
0x2c: {  	s7 =	sld [smem:$0x3FAF]  }
0x2d: {  	s3 =	simm.s32 $0x108;
	s8 =	sld [smem:$0x3FB0]  }
0x2e: {  	s3 =	simm.s32 @!p0 $0x1082;
	s9 =	sld [smem:$0x3FB1]  }
0x2f: {  	lr =	sadd.s32 s0, s3;
	s0 =	sld [smem:$0x3FA8]  }
0x30: {  	s3 =	sld [smem:$0x3FAB]  }
0x31: {  	[smem:$0x3FB4] =	sst s10  }
0x32: {  	s10 =	sld [smem:$0x3FB2];
	_ =	sdelay $0x3  }
0x33: {  	p0 =	seq.s32 s10, $0x1;
	s10 =	sld [smem:$0x3FB4];
	_ =	sdelay $0x3  }
0x34: {  	[smem:$0x3FB4] =	sst s10  }
0x35: {  	s10 =	sld [smem:$0x3FB3];
	_ =	sdelay $0x3  }
0x36: {  	p1 =	seq.s32 s10, $0x1;
	s10 =	sld [smem:$0x3FB4];
	_ =	sdelay $0x3  }
0x37: {  	[smem:$0x3FB4] =	sst s10  }
0x38: {  	s10 =	sld [smem:$0x3FB5]  }
0x39: {  	_ = 	snop;
	(pc) =	sbr.ind lr, $3  }
0x3a: {  	_ = 	snop  }
0x3b: {  	_ = 	snop  }
0x3c: {  	p2 =	seq.s32 s10, $0x1;
	s10 =	sld [smem:$0x3FB4]  }
0x3d: {  	_ =	shalt  }
0x3e: {  	_ =	shalt  }
0x3f: {  	_ =	shalt  }
0x40: {  	_ =	shalt  }
0x41: {  	_ =	shalt  }
0x42: {  	_ =	shalt  }
0x43: {  	_ =	shalt  }
0x44: {  	_ =	shalt  }
0x45: {  	_ =	shalt  }
0x46: {  	_ =	shalt  }
0x47: {  	_ =	shalt  }
0x48: {  	_ =	shalt  }
0x49: {  	_ =	shalt  }
0x4a: {  	_ =	shalt  }
0x4b: {  	_ =	shalt  }
0x4c: {  	_ =	shalt  }
0x4d: {  	_ =	shalt  }
0x4e: {  	_ =	shalt  }
0x4f: {  	_ =	shalt  }
0x50: {  	_ =	shalt  }
0x51: {  	_ =	shalt  }
0x52: {  	_ =	shalt  }
0x53: {  	_ =	shalt  }
0x54: {  	_ =	shalt  }
0x55: {  	_ =	shalt  }
0x56: {  	_ =	shalt  }
0x57: {  	_ =	shalt  }
0x58: {  	_ =	shalt  }
0x59: {  	_ =	shalt  }
0x5a: {  	_ =	shalt  }
0x5b: {  	_ =	shalt  }
0x5c: {  	_ =	shalt  }
0x5d: {  	_ =	shalt  }
0x5e: {  	_ =	shalt  }
0x5f: {  	_ =	shalt  }
0x60: {  	_ =	shalt  }
0x61: {  	_ =	shalt  }
0x62: {  	_ =	shalt  }
0x63: {  	_ =	shalt  }
0x64: {  	_ =	shalt  }
0x65: {  	_ =	shalt  }
0x66: {  	_ =	shalt  }
0x67: {  	_ =	shalt  }
0x68: {  	_ =	shalt  }
0x69: {  	_ =	shalt  }
0x6a: {  	_ =	shalt  }
0x6b: {  	_ =	shalt  }
0x6c: {  	_ =	shalt  }
0x6d: {  	_ =	shalt  }
0x6e: {  	_ =	shalt  }
0x6f: {  	_ =	shalt  }
0x70: {  	_ =	shalt  }
0x71: {  	_ =	shalt  }
0x72: {  	_ =	shalt  }
0x73: {  	_ =	shalt  }
0x74: {  	_ =	shalt  }
0x75: {  	_ =	shalt  }
0x76: {  	_ =	shalt  }
0x77: {  	_ =	shalt  }
0x78: {  	_ =	shalt  }
0x79: {  	_ =	shalt  }
0x7a: {  	_ =	shalt  }
0x7b: {  	_ =	shalt  }
0x7c: {  	_ =	shalt  }
0x7d: {  	_ =	shalt  }
0x7e: {  	_ =	shalt  }
0x7f: {  	_ =	shalt  }
0x80: {  	_ =	shalt  }
0x81: {  	_ =	shalt  }
0x82: {  	_ =	shalt  }
0x83: {  	_ =	shalt  }
0x84: {  	_ =	shalt  }
0x85: {  	_ =	shalt  }
0x86: {  	_ =	shalt  }
0x87: {  	_ =	shalt  }
.Lfunc_end0:
.L_simem_size_0:
called_computation.1_lowered:
.L_overlay_start_0:
0x88: {  	s2 =	sld [smem:$0x3FD9]  }
0x89: {  	s3 =	sld [smem:$0x3FFE];
	_ =	sdelay $0x1  }
0x8a: {  	s1 =	srdreg.scid  }
0x8b: {  	s0 =	sand.u32 $0x1, s1  }
0x8c: {  	s17 =	sshll.u32 s0, $0xA;
	s2 =	sadd.s32 s3, s2  }
0x8d: {  	s2 =	sadd.s32 s2, s17  }
0x8e: {  	[smem:$0x3FC0] =	sst s2  }
0x8f: {  	_ = 	snop  }
0x90: {  	(tm) =	ssettm $0x1  }
0x91: {  	s18 =	sld [smem:$0x3FFB];
	_ =	sdelay $0x3  }
0x92: {  	_ =	strace s18  }
0x93: {  	s2 =	sld [smem:$0x3FFC];
	_ =	sdelay $0x3  }
0x94: {  	_ =	strace s2  }
0x95: {  	s2 =	sld [smem:$0x3FFD];
	_ =	sdelay $0x3  }
0x96: {  	_ =	strace s2  }
0x97: {  	_ =	strace $0x8FFFFFFF  }
0x98: {  	s19 =	sld [smem:$0x3FDB];
	_ =	sdelay $0x1  }
0x99: {  	s20 =	simm.s32 $_scs_section_size  }
0x9a: {  	s4 =	simm.s32 $_size__tile_overlayer_lowered;
	s5 =	simm.s32 $_tile_overlayer_lowered  }
0x9b: {  	s6 =	simm.s32 $0x1BFF;
	s21 =	sshll.u32 s5, $0x1;
	s3 =	sadd.s32 s20, s19  }
0x9c: {  	s22 =	simm.s32 $0x0;
	s4 =	sshll.u32 s4, $0x1;
	s5 =	sadd.s32 s21, s3  }
0x9d: {  	[timem:s22], [sflag:s6] =	dma.local [hbm:s5], s4  }
0x9e: {  	_ =	swait.ge [sflag:s6], s4  }
0x9f: {  	s4 =	ssub.s32 $0x0, s4;
	[sflag:s6] =	ssyncset.done $0x0  }
0xa0: {  	[sflag:s6] =	ssyncadd.s32 s4;
	_ =	sdelay $0x1  }
0xa1: {  	s23 =	simm.s32 $0x1B8B  }
0xa2: {  	_ =	swait.ge [sflag:s23], $0x1  }
0xa3: {  	[sflag:s23] =	ssyncset.done $0x0  }
0xa4: {  	[sflag:s23] =	ssyncadd.s32 $0xFFFFFFFF  }
0xa5: {  	s4 =	sld [smem:$0x0]  }
0xa6: {  	s5 =	sand.u32 $0xFFFFFFFE, s1  }
0xa7: {  	p0 =	sne.s32 s1, s5  }
0xa8: {  	s5 =	sshll.u32 @p0 s5, $0xE  }
0xa9: {  	s5 =	sadd.s32 @p0 $0x11B8D, s5;
	s6 =	sshll.u32 @p0 s4, $0x11  }
0xaa: {  	s5 =	sor.u32 @p0 s6, s5  }
0xab: {  	[sflag:s5] =	ssyncadd.remote.s32 @p0 $0x1;
	_ =	sdelay $0x1  }
0xac: {  	s5 =	simm.s32 @p0 $0x1B8D  }
0xad: {  	_ =	swait.eq @p0 [sflag:s5], $0x1  }
0xae: {  	[sflag:s5] =	ssyncadd.s32 @p0 $0xFFFFFFFF  }
0xaf: {  	s6 =	sshll.u32 @!p0 s1, $0xE  }
0xb0: {  	s6 =	sor.u32 @!p0 $0x4000, s6;
	s5 =	simm.s32 @!p0 $0x1B8D  }
0xb1: {  	s4 =	sshll.u32 @!p0 s4, $0x11;
	s6 =	sadd.s32 @!p0 $0x11B8D, s6;
	_ =	swait.eq @!p0 [sflag:s5], $0x1  }
0xb2: {  	s4 =	sor.u32 @!p0 s4, s6;
	[sflag:s5] =	ssyncadd.s32 @!p0 $0xFFFFFFFF  }
0xb3: {  	s25 =	simm.s32 $0x1B8E;
	s24 =	sld [smem:$0x3FFE];
	[sflag:s4] =	ssyncadd.remote.s32 @!p0 $0x1  }
0xb4: {  	s26 =	simm.s32 $execute0_lowered;
	[smem:$0x3FD2] =	sst s25  }
0xb5: {  	s5 =	sshll.u32 s26, $0x1;
	_ =	strace $0x80000049;
	[dreg:$0x1] =	wrdreg $0xFFFFFFFF  }
0xb6: {  	s28 =	simm.s32 $_size_execute0_lowered;
	s3 =	sadd.s32 s3, s5;
	[dreg:$0x0] =	wrdreg $0x0  }
0xb7: {  	s5 =	sshll.u32 s28, $0x1;
	[dreg:$0x2] =	wrdreg s3  }
0xb8: {  	[dreg:$0x3] =	wrdreg s5  }
0xb9: {  	[dreg:$0x4] =	wrdreg $0xC0  }
0xba: {  	_ =	task [dreg:s22], $0x5FFFF  }
0xbb: {  	[dreg:$0x1] =	wrdreg $0xFFFFFFFF  }
0xbc: {  	[dreg:$0x0] =	wrdreg $0x60  }
0xbd: {  	[dreg:$0x2] =	wrdreg s24  }
0xbe: {  	[dreg:$0x3] =	wrdreg $0xA  }
0xbf: {  	_ =	task.clear_ibuf [dreg:s22], $0x4FFFF;
	_ =	strace $0x90000049  }
0xc0: {  	s29 =	simm.s32 $0xA;
	_ =	strace $0x8000004B  }
0xc1: {  	_ =	swait.ge [sflag:s29], $0x1  }
0xc2: {  	[sflag:s29] =	ssyncadd.s32 $0xFFFFFFFF  }
0xc3: {  	_ =	strace $0x9000004B  }
0xc4: {  	_ =	sfence  }
0xc5: {  	s30 =	sld [smem:$0x0];
	_ =	sdelay $0x2  }
0xc6: {  	s31 =	sshll.u32 s1, $0xD;
	s1 =	sshrl.u32 s1, $0x2  }
0xc7: {  	s4 =	sand.u32 $0x4000, s31;
	s1 =	sadd.s32 s1, s30  }
0xc8: {  	s0 =	sor.u32 s4, s0;
	s1 =	sshll.u32 s1, $0x11  }
0xc9: {  	s0 =	sor.u32 s1, s0  }
0xca: {  	s0 =	sadd.s32 $0x8F2B, s0  }
0xcb: {  	[sflag:s0] =	ssyncadd.remote.s32 $0x1  }
0xcc: {  	_ =	sfence.sel $0xFFFF  }
0xcd: {  	[dreg:$0x0] =	wrdreg $0xFFFFFFFF;
	(pc) =	sbr.abs _section_cstart, $3  }
0xce: {  	[dreg:$0x1] =	wrdreg $0xFFFFFFFF  }
0xcf: {  	_ =	task.clear_ibuf [dreg:s22], $0x2FFFF;
	_ =	strace $0x9FFFFFFF  }
0xd0: {  	(tm) =	ssettm $0x7FFFFFFF  }
0xd1: {  	_ =	shalt  }
tec
execute0_lowered:
.L_overlay_start_1:
0x0: {  	(tag) =	ssettag $0x1  }
0x1: {  	s1 =	srdreg.scid  }
0x2: {  	s0 =	stileid.u32;
	s16 =	sand.u32 $0x1, s1  }
0x3: {  	s30 =	sshll.u32 s0, $0xE;
	s2 =	sshll.u32 s16, $0xD  }
0x4: {  	s10 =	rddreg [dreg:$0x0];
	s11 =	sor.u32 s2, s30  }
0x5: {  	s1 =	rddreg [dreg:$0x1];
	s2 =	simm.s32 $0x0;
	s3 =	sshrl.u32 s11, $0x3  }
0x6: {  	[smem:$0x7FF] =	sst s2;
	s3 =	sadd.s32 s3, s10  }
0x7: {  	_ =	strace $0x8000004A;
	s4 =	sadd.s32 $0x9A00, s3;
	s3 =	simm.s32 $0x3  }
0x8: {  	[tilespmem:s2], [sflag:$0x3] =	stream.linear.gather [hbm4b:s4+s2], $0x2000, $0x38;
	[tilespmem:$0x12000] =	vst v63  }
0x9: {  	_ =	swait.ge [sflag:s3], $0x2000  }
0xa: {  	s6 =	simm.s32 $0x800;
	[sflag:s3] =	ssyncset.done $0x0  }
0xb: {  	s7 =	simm.s32 $0x2000;
	s5 =	sadd.s32 $0x11A00, s10;
	[sflag:s3] =	ssyncadd.s32 $0xFFFFE000  }
0xc: {  	[tilespmem:s7], [sflag:$0x1] =	stream.indirect.gather [hbm4b:s5+s6], $0x10, s2, s6, $0xb8;
	[tilespmem:$0x12000] =	vst v63  }
0xd: {  	s8 =	simm.s32 $0xA000;
	s9 =	simm.s32 $0x1  }
0xe: {  	[tilespmem:s8], [sflag:$0x2] =	stream.indirect.gather [hbm4b:s5+s6], $0x10, s6, s6, $0xb8;
	[tilespmem:$0x12000] =	vst v63  }
0xf: {  	s11 =	sshll.u32 s11, $0x1;
	_ =	swait.ge [sflag:s9], $0x8000  }
0x10: {  	s17 =	sadd.s32 s11, s10;
	[sflag:s9] =	ssyncset.done $0x0  }
0x11: {  	s10 =	sadd.s32 $0x591A00, s17;
	[sflag:s9] =	ssyncadd.s32 $0xFFFF8000  }
0x12: {  	[hbm4b:s10+s2] =	stream.linear.scatter [tilespmem:s7], [sflag:$0x3], $0x8000, $0x38;
	[tilespmem:$0x12000] =	vst v63  }
0x13: {  	_ =	swait.ge [sflag:s3], $0x8000  }
0x14: {  	[sflag:s3] =	ssyncset.done $0x0  }
0x15: {  	s12 =	simm.s32 $0x2;
	s11 =	simm.s32 $0x1000;
	[sflag:s3] =	ssyncadd.s32 $0xFFFF8000  }
0x16: {  	[tilespmem:s7], [sflag:$0x1] =	stream.indirect.gather [hbm4b:s5+s6], $0x10, s11, s6, $0xb8;
	[tilespmem:$0x12000] =	vst v63  }
0x17: {  	_ =	swait.ge [sflag:s12], $0x8000  }
0x18: {  	[sflag:s12] =	ssyncset.done $0x0  }
0x19: {  	s13 =	sadd.s32 $0x592A00, s17;
	[sflag:s12] =	ssyncadd.s32 $0xFFFF8000  }
0x1a: {  	[hbm4b:s13+s2] =	stream.linear.scatter [tilespmem:s8], [sflag:$0x3], $0x8000, $0x38;
	[tilespmem:$0x12000] =	vst v63  }
0x1b: {  	_ =	swait.ge [sflag:s3], $0x8000  }
0x1c: {  	[sflag:s3] =	ssyncset.done $0x0  }
0x1d: {  	s14 =	simm.s32 $0x1800;
	[sflag:s3] =	ssyncadd.s32 $0xFFFF8000  }
0x1e: {  	[tilespmem:s8], [sflag:$0x2] =	stream.indirect.gather [hbm4b:s5+s6], $0x10, s14, s6, $0xb8;
	[tilespmem:$0x12000] =	vst v63  }
0x1f: {  	_ =	swait.ge [sflag:s9], $0x8000  }
0x20: {  	[sflag:s9] =	ssyncset.done $0x0  }
0x21: {  	s16 =	ssub.s32 $0x2, s16;
	s15 =	sadd.s32 $0x593A00, s17;
	[sflag:s9] =	ssyncadd.s32 $0xFFFF8000  }
0x22: {  	[hbm4b:s15+s2] =	stream.linear.scatter [tilespmem:s7], [sflag:$0x3], $0x8000, $0x38;
	[tilespmem:$0x12000] =	vst v63  }
0x23: {  	s18 =	sshrl.u32 s16, $0x1;
	_ =	swait.ge [sflag:s3], $0x8000  }
0x24: {  	s18 =	ssub.s32 s16, s18;
	[sflag:s3] =	ssyncset.done $0x0  }
0x25: {  	s31 =	smax.u32 s18, $0x1;
	[sflag:s3] =	ssyncadd.s32 $0xFFFF8000  }
0x26: {  	p0 =	sne.s32 s31, $0x1;
	_ =	swait.ge [sflag:s12], $0x8000  }
.Ltmp0:
0x27: {  	[sflag:s12] =	ssyncset.done $0x0;
	(pc) =	sbr.rel @!p0 .LBB2_2-.Ltmp0, $4  }
0x28: {  	s16 =	sadd.s32 $0x594A00, s17;
	[sflag:s12] =	ssyncadd.s32 $0xFFFF8000  }
0x29: {  	[hbm4b:s16+s2] =	stream.linear.scatter [tilespmem:s8], [sflag:$0x3], $0x8000, $0x38;
	[tilespmem:$0x12000] =	vst v63  }
0x2a: {  	_ =	swait.ge [sflag:s3], $0x8000  }
0x2b: {  	s17 =	sadd.s32 $0xFFFFFFFF, s31;
	[sflag:s3] =	ssyncset.done $0x0  }
.LBB2_1:
0x2c: {  	p0 =	sne.s32 s17, $0x1;
	s17 =	sadd.s32 $0xFFFFFFFF, s17;
	[sflag:s3] =	ssyncadd.s32 $0xFFFF8000  }
0x2d: {  	[tilespmem:s2], [sflag:$0x3] =	stream.linear.gather [hbm4b:s4+s2], $0x2000, $0x38;
	[tilespmem:$0x12000] =	vst v63  }
0x2e: {  	_ =	swait.ge [sflag:s3], $0x2000  }
0x2f: {  	[sflag:s3] =	ssyncset.done $0x0  }
0x30: {  	[sflag:s3] =	ssyncadd.s32 $0xFFFFE000  }
0x31: {  	[tilespmem:s7], [sflag:$0x1] =	stream.indirect.gather [hbm4b:s5+s6], $0x10, s2, s6, $0xb8;
	[tilespmem:$0x12000] =	vst v63  }
0x32: {  	_ = 	snop  }
0x33: {  	[tilespmem:s8], [sflag:$0x2] =	stream.indirect.gather [hbm4b:s5+s6], $0x10, s6, s6, $0xb8;
	[tilespmem:$0x12000] =	vst v63  }
0x34: {  	_ =	swait.ge [sflag:s9], $0x8000  }
0x35: {  	[sflag:s9] =	ssyncset.done $0x0  }
0x36: {  	[sflag:s9] =	ssyncadd.s32 $0xFFFF8000  }
0x37: {  	[hbm4b:s10+s2] =	stream.linear.scatter [tilespmem:s7], [sflag:$0x3], $0x8000, $0x38;
	[tilespmem:$0x12000] =	vst v63  }
0x38: {  	_ =	swait.ge [sflag:s3], $0x8000  }
0x39: {  	[sflag:s3] =	ssyncset.done $0x0  }
0x3a: {  	[sflag:s3] =	ssyncadd.s32 $0xFFFF8000  }
0x3b: {  	[tilespmem:s7], [sflag:$0x1] =	stream.indirect.gather [hbm4b:s5+s6], $0x10, s11, s6, $0xb8;
	[tilespmem:$0x12000] =	vst v63  }
0x3c: {  	_ =	swait.ge [sflag:s12], $0x8000  }
0x3d: {  	[sflag:s12] =	ssyncset.done $0x0  }
0x3e: {  	[sflag:s12] =	ssyncadd.s32 $0xFFFF8000  }
0x3f: {  	[hbm4b:s13+s2] =	stream.linear.scatter [tilespmem:s8], [sflag:$0x3], $0x8000, $0x38;
	[tilespmem:$0x12000] =	vst v63  }
0x40: {  	_ =	swait.ge [sflag:s3], $0x8000  }
0x41: {  	[sflag:s3] =	ssyncset.done $0x0  }
0x42: {  	[sflag:s3] =	ssyncadd.s32 $0xFFFF8000  }
0x43: {  	[tilespmem:s8], [sflag:$0x2] =	stream.indirect.gather [hbm4b:s5+s6], $0x10, s14, s6, $0xb8;
	[tilespmem:$0x12000] =	vst v63  }
0x44: {  	_ =	swait.ge [sflag:s9], $0x8000  }
0x45: {  	[sflag:s9] =	ssyncset.done $0x0  }
0x46: {  	[sflag:s9] =	ssyncadd.s32 $0xFFFF8000  }
0x47: {  	[hbm4b:s15+s2] =	stream.linear.scatter [tilespmem:s7], [sflag:$0x3], $0x8000, $0x38;
	[tilespmem:$0x12000] =	vst v63  }
0x48: {  	_ =	swait.ge [sflag:s3], $0x8000  }
0x49: {  	[sflag:s3] =	ssyncset.done $0x0  }
0x4a: {  	[sflag:s3] =	ssyncadd.s32 $0xFFFF8000  }
0x4b: {  	_ =	swait.ge [sflag:s12], $0x8000  }
.Ltmp1:
0x4c: {  	[sflag:s12] =	ssyncset.done $0x0;
	(pc) =	sbr.rel @p0 .LBB2_1-.Ltmp1, $4  }
0x4d: {  	[sflag:s12] =	ssyncadd.s32 $0xFFFF8000  }
0x4e: {  	[hbm4b:s16+s2] =	stream.linear.scatter [tilespmem:s8], [sflag:$0x3], $0x8000, $0x38;
	[tilespmem:$0x12000] =	vst v63  }
0x4f: {  	_ =	swait.ge [sflag:s3], $0x8000  }
0x50: {  	[sflag:s3] =	ssyncset.done $0x0  }
.LBB2_2:
0x51: {  	[sflag:s3] =	ssyncadd.s32 $0xFFFF8000  }
0x52: {  	_ =	sfence.sel $0x180000  }
0x53: {  	[bflag:$0x0] =	sbarrier.arrive $0xFFFF  }
0x54: {  	p0 =	sne.s32 s0, $0x0;
	_ =	strace $0x9000004A  }
0x55: {  	s0 =	sadd.s32 @!p0 $0x100000, s1;
	[bflag:$0x2] =	sbarrier.arrive $0xFFFF  }
0x56: {  	[sflag:s0] =	ssyncadd.tile.s32 @!p0 $0x1;
	_ =	shalt  }
.Lfunc_end2:
_tile_overlayer_lowered:
.L_overlay_start_2:
0x57: {  	(tag) =	ssettag $0x2  }
0x58: {  	s0 =	rddreg [dreg:$0x0];
	s2 =	stileid.u32  }
0x59: {  	s1 =	rddreg [dreg:$0x1];
	p0 =	sne.s32 s2, $0x0  }
0x5a: {  	s3 =	rddreg [dreg:$0x2];
	[bflag:$0x3] =	sbarrier.arrive $0xFFFF;
	s2 =	simm.s32 @!p0 $0x1C03  }
0x5b: {  	[timem:s3], [sflag:s2] =	dma.local @!p0 [hbm:s0], s1  }
0x5c: {  	s0 =	simm.s32 @!p0 $0x3  }
0x5d: {  	_ =	swait.ge @!p0 [sflag:s0], s1  }
0x5e: {  	s1 =	ssub.s32 @!p0 $0x0, s1;
	[sflag:s0] =	ssyncset.done @!p0 $0x0  }
0x5f: {  	[sflag:s0] =	ssyncadd.s32 @!p0 s1  }
0x60: {  	[bflag:$0x3] =	sbarrier.arrive $0xFFFF  }
0x61: {  	_ =	shalt  }

// kernel: kernel.7.cloned.1.call-start
scs
__scs_entry_jumppad:
0x0: {  	(pc) =	sbr.rel $0x88, $3  }
0x1: {  	(tag) =	ssettag $0x0;
	lr =	simm.s32 $0x1  }
0x2: {  	[smem:$0x3F99] =	sst lr;
	_ =	strace $0xD0000000  }
0x3: {  	_ = 	snop  }
0x4: {  	_ = 	snop  }
0x5: {  	_ = 	snop  }
0x6: {  	_ = 	snop  }
0x7: {  	_ = 	snop  }
__scs_overlays_trampoline_lowered:
0x8: {  	[smem:$0x3FA8] =	sst s0  }
0x9: {  	[smem:$0x3FA9] =	sst s1  }
0xa: {  	[smem:$0x3FAA] =	sst s2  }
0xb: {  	[smem:$0x3FAB] =	sst s3  }
0xc: {  	[smem:$0x3FAC] =	sst s4  }
0xd: {  	[smem:$0x3FAD] =	sst s5  }
0xe: {  	[smem:$0x3FAE] =	sst s6  }
0xf: {  	[smem:$0x3FAF] =	sst s7  }
0x10: {  	[smem:$0x3FB0] =	sst s8  }
0x11: {  	[smem:$0x3FB1] =	sst s9;
	s0 =	simm.s32 @!p0 $0x0  }
0x12: {  	s1 =	sld [smem:$0x3F97];
	s0 =	simm.s32 @p0 $0x1  }
0x13: {  	[smem:$0x3FB2] =	sst s0;
	s0 =	simm.s32 @!p1 $0x0  }
0x14: {  	s2 =	sld [smem:$0x3F96];
	s0 =	simm.s32 @p1 $0x1  }
0x15: {  	[smem:$0x3FB3] =	sst s0;
	s0 =	simm.s32 @!p2 $0x0  }
0x16: {  	s3 =	sld [smem:$0x3FDB];
	s0 =	simm.s32 @p2 $0x1  }
0x17: {  	s4 =	simm.s32 $0x1BF5;
	[smem:$0x3FB5] =	sst s0  }
0x18: {  	s0 =	sld [smem:$0x3F98];
	_ =	swait.ge [sflag:s4], $0x0  }
0x19: {  	s7 =	sld [smem:$0x3F99]  }
0x1a: {  	s8 =	sadd.s32 $0xFFFFE003, lr  }
0x1b: {  	s9 =	sadd.s32 $0xFFFFFEF7, lr;
	s5 =	simm.s32 $0xFFFFFFFF;
	p2 =	slt.u32 s8, $0xFFFFF086  }
0x1c: {  	p1 =	slt.u32 s9, $0xF7A;
	s5 =	simm.s32 @!p2 $0x0  }
0x1d: {  	s5 =	simm.s32 @p1 $0x1;
	p0 =	seq.s32 s7, s2  }
0x1e: {  	s7 =	smul.u32 @!p0 $0xF7A, s2;
	p2 =	seq.s32 @!p0 s5, $0x0  }
0x1f: {  	s9 =	smul.u32 $0xF7A, s1;
	s8 =	simm.s32 @!p0 $0x1BF5;
	p2 =	por !p2, p0  }
0x20: {  	[sflag:s8] =	ssyncset.s32 @!p0 $0xFFFFF086;
	s6 =	sadd.s32 @!p0 s3, s7;
	s7 =	simm.s32 @!p0 $0x108  }
0x21: {  	s3 =	sadd.s32 s3, s9;
	s6 =	sadd.s32 @!p0 $0x88, s6;
	s7 =	simm.s32 @p2 $0x1082  }
0x22: {  	[simem:s7], [sflag:s8] =	dma.local @!p0 [hbm:s6], $0xF7A  }
0x23: {  	s9 =	sor.u32 $0xD0000000, s2;
	s6 =	simm.s32 $0x108;
	_ =	swait.ge @!p0 [sflag:s8], $0x0  }
0x24: {  	s3 =	sadd.s32 $0x88, s3;
	s6 =	simm.s32 @!p1 $0x1082;
	[sflag:s4] =	ssyncset.s32 $0xFFFFF086  }
0x25: {  	[simem:s6], [sflag:s4] =	dma.local [hbm:s3], $0xF7A  }
0x26: {  	[smem:$0x3F99] =	sst s1;
	(tag) =	ssettag s2;
	_ =	strace s9  }
0x27: {  	s1 =	sld [smem:$0x3FA9]  }
0x28: {  	s2 =	sld [smem:$0x3FAA]  }
0x29: {  	s4 =	sld [smem:$0x3FAC]  }
0x2a: {  	p0 =	seq.s32 s5, $0x0;
	s5 =	sld [smem:$0x3FAD]  }
0x2b: {  	s6 =	sld [smem:$0x3FAE]  }
0x2c: {  	s7 =	sld [smem:$0x3FAF]  }
0x2d: {  	s3 =	simm.s32 $0x108;
	s8 =	sld [smem:$0x3FB0]  }
0x2e: {  	s3 =	simm.s32 @!p0 $0x1082;
	s9 =	sld [smem:$0x3FB1]  }
0x2f: {  	lr =	sadd.s32 s0, s3;
	s0 =	sld [smem:$0x3FA8]  }
0x30: {  	s3 =	sld [smem:$0x3FAB]  }
0x31: {  	[smem:$0x3FB4] =	sst s10  }
0x32: {  	s10 =	sld [smem:$0x3FB2];
	_ =	sdelay $0x3  }
0x33: {  	p0 =	seq.s32 s10, $0x1;
	s10 =	sld [smem:$0x3FB4];
	_ =	sdelay $0x3  }
0x34: {  	[smem:$0x3FB4] =	sst s10  }
0x35: {  	s10 =	sld [smem:$0x3FB3];
	_ =	sdelay $0x3  }
0x36: {  	p1 =	seq.s32 s10, $0x1;
	s10 =	sld [smem:$0x3FB4];
	_ =	sdelay $0x3  }
0x37: {  	[smem:$0x3FB4] =	sst s10  }
0x38: {  	s10 =	sld [smem:$0x3FB5]  }
0x39: {  	_ = 	snop;
	(pc) =	sbr.ind lr, $3  }
0x3a: {  	_ = 	snop  }
0x3b: {  	_ = 	snop  }
0x3c: {  	p2 =	seq.s32 s10, $0x1;
	s10 =	sld [smem:$0x3FB4]  }
0x3d: {  	_ =	shalt  }
0x3e: {  	_ =	shalt  }
0x3f: {  	_ =	shalt  }
0x40: {  	_ =	shalt  }
0x41: {  	_ =	shalt  }
0x42: {  	_ =	shalt  }
0x43: {  	_ =	shalt  }
0x44: {  	_ =	shalt  }
0x45: {  	_ =	shalt  }
0x46: {  	_ =	shalt  }
0x47: {  	_ =	shalt  }
0x48: {  	_ =	shalt  }
0x49: {  	_ =	shalt  }
0x4a: {  	_ =	shalt  }
0x4b: {  	_ =	shalt  }
0x4c: {  	_ =	shalt  }
0x4d: {  	_ =	shalt  }
0x4e: {  	_ =	shalt  }
0x4f: {  	_ =	shalt  }
0x50: {  	_ =	shalt  }
0x51: {  	_ =	shalt  }
0x52: {  	_ =	shalt  }
0x53: {  	_ =	shalt  }
0x54: {  	_ =	shalt  }
0x55: {  	_ =	shalt  }
0x56: {  	_ =	shalt  }
0x57: {  	_ =	shalt  }
0x58: {  	_ =	shalt  }
0x59: {  	_ =	shalt  }
0x5a: {  	_ =	shalt  }
0x5b: {  	_ =	shalt  }
0x5c: {  	_ =	shalt  }
0x5d: {  	_ =	shalt  }
0x5e: {  	_ =	shalt  }
0x5f: {  	_ =	shalt  }
0x60: {  	_ =	shalt  }
0x61: {  	_ =	shalt  }
0x62: {  	_ =	shalt  }
0x63: {  	_ =	shalt  }
0x64: {  	_ =	shalt  }
0x65: {  	_ =	shalt  }
0x66: {  	_ =	shalt  }
0x67: {  	_ =	shalt  }
0x68: {  	_ =	shalt  }
0x69: {  	_ =	shalt  }
0x6a: {  	_ =	shalt  }
0x6b: {  	_ =	shalt  }
0x6c: {  	_ =	shalt  }
0x6d: {  	_ =	shalt  }
0x6e: {  	_ =	shalt  }
0x6f: {  	_ =	shalt  }
0x70: {  	_ =	shalt  }
0x71: {  	_ =	shalt  }
0x72: {  	_ =	shalt  }
0x73: {  	_ =	shalt  }
0x74: {  	_ =	shalt  }
0x75: {  	_ =	shalt  }
0x76: {  	_ =	shalt  }
0x77: {  	_ =	shalt  }
0x78: {  	_ =	shalt  }
0x79: {  	_ =	shalt  }
0x7a: {  	_ =	shalt  }
0x7b: {  	_ =	shalt  }
0x7c: {  	_ =	shalt  }
0x7d: {  	_ =	shalt  }
0x7e: {  	_ =	shalt  }
0x7f: {  	_ =	shalt  }
0x80: {  	_ =	shalt  }
0x81: {  	_ =	shalt  }
0x82: {  	_ =	shalt  }
0x83: {  	_ =	shalt  }
0x84: {  	_ =	shalt  }
0x85: {  	_ =	shalt  }
0x86: {  	_ =	shalt  }
0x87: {  	_ =	shalt  }
.Lfunc_end0:
.L_simem_size_0:
called_computation_lowered:
.L_overlay_start_0:
0x88: {  	s2 =	sld [smem:$0x3FD9]  }
0x89: {  	s3 =	sld [smem:$0x3FFE];
	_ =	sdelay $0x1  }
0x8a: {  	s1 =	srdreg.scid  }
0x8b: {  	s0 =	sand.u32 $0x1, s1  }
0x8c: {  	s16 =	sshll.u32 s0, $0xA;
	s2 =	sadd.s32 s3, s2  }
0x8d: {  	s2 =	sadd.s32 s2, s16  }
0x8e: {  	[smem:$0x3FC0] =	sst s2  }
0x8f: {  	_ = 	snop  }
0x90: {  	(tm) =	ssettm $0x1  }
0x91: {  	s17 =	sld [smem:$0x3FFB];
	_ =	sdelay $0x3  }
0x92: {  	_ =	strace s17  }
0x93: {  	s2 =	sld [smem:$0x3FFC];
	_ =	sdelay $0x3  }
0x94: {  	_ =	strace s2  }
0x95: {  	s2 =	sld [smem:$0x3FFD];
	_ =	sdelay $0x3  }
0x96: {  	_ =	strace s2  }
0x97: {  	_ =	strace $0x8FFFFFFF  }
0x98: {  	s18 =	sld [smem:$0x3FDB];
	_ =	sdelay $0x1  }
0x99: {  	s19 =	simm.s32 $_scs_section_size  }
0x9a: {  	s4 =	simm.s32 $_size__tile_overlayer_lowered;
	s5 =	simm.s32 $_tile_overlayer_lowered  }
0x9b: {  	s22 =	simm.s32 $0x1BFF;
	s21 =	sshll.u32 s5, $0x1;
	s2 =	sadd.s32 s19, s18  }
0x9c: {  	s6 =	simm.s32 $0x0;
	s20 =	sshll.u32 s4, $0x1;
	s4 =	sadd.s32 s21, s2  }
0x9d: {  	[timem:s6], [sflag:s22] =	dma.local [hbm:s4], s20  }
0x9e: {  	_ =	swait.ge [sflag:s22], s20  }
0x9f: {  	s3 =	ssub.s32 $0x0, s20;
	[sflag:s22] =	ssyncset.done $0x0  }
0xa0: {  	[sflag:s22] =	ssyncadd.s32 s3;
	_ =	sdelay $0x1  }
0xa1: {  	s23 =	simm.s32 $0x1B8B  }
0xa2: {  	_ =	swait.ge [sflag:s23], $0x1  }
0xa3: {  	[sflag:s23] =	ssyncset.done $0x0  }
0xa4: {  	s25 =	simm.s32 $0x1B8E;
	s24 =	sld [smem:$0x3FFE];
	[sflag:s23] =	ssyncadd.s32 $0xFFFFFFFF  }
0xa5: {  	s26 =	simm.s32 $execute0_lowered;
	[smem:$0x3FD2] =	sst s25  }
0xa6: {  	s4 =	sshll.u32 s26, $0x1;
	_ =	strace $0x80000046;
	[dreg:$0x1] =	wrdreg $0xFFFFFFFF  }
0xa7: {  	s28 =	simm.s32 $_size_execute0_lowered;
	s2 =	sadd.s32 s2, s4;
	[dreg:$0x0] =	wrdreg $0x0  }
0xa8: {  	s4 =	sshll.u32 s28, $0x1;
	[dreg:$0x2] =	wrdreg s2  }
0xa9: {  	[dreg:$0x3] =	wrdreg s4  }
0xaa: {  	[dreg:$0x4] =	wrdreg $0xC0  }
0xab: {  	_ =	task [dreg:s6], $0x5FFFF  }
0xac: {  	[dreg:$0x1] =	wrdreg $0xFFFFFFFF  }
0xad: {  	[dreg:$0x0] =	wrdreg $0x60  }
0xae: {  	[dreg:$0x2] =	wrdreg s24  }
0xaf: {  	[dreg:$0x3] =	wrdreg $0x9  }
0xb0: {  	_ =	task.clear_ibuf [dreg:s6], $0x4FFFF;
	_ =	strace $0x90000046  }
0xb1: {  	s29 =	simm.s32 $0x9;
	_ =	strace $0x80000048  }
0xb2: {  	_ =	swait.ge [sflag:s29], $0x1  }
0xb3: {  	[sflag:s29] =	ssyncadd.s32 $0xFFFFFFFF  }
0xb4: {  	_ =	strace $0x90000048  }
0xb5: {  	_ =	sfence  }
0xb6: {  	s30 =	sld [smem:$0x0];
	_ =	sdelay $0x2  }
0xb7: {  	s31 =	sshll.u32 s1, $0xD;
	s1 =	sshrl.u32 s1, $0x2  }
0xb8: {  	s3 =	sand.u32 $0x4000, s31;
	s1 =	sadd.s32 s1, s30  }
0xb9: {  	s0 =	sor.u32 s3, s0;
	s1 =	sshll.u32 s1, $0x11  }
0xba: {  	s0 =	sor.u32 s1, s0  }
0xbb: {  	s0 =	sadd.s32 $0x8F2B, s0  }
0xbc: {  	[sflag:s0] =	ssyncadd.remote.s32 $0x1  }
0xbd: {  	_ =	sfence.sel $0xFFFF  }
0xbe: {  	[dreg:$0x0] =	wrdreg $0xFFFFFFFF;
	(pc) =	sbr.abs _section_cstart, $3  }
0xbf: {  	[dreg:$0x1] =	wrdreg $0xFFFFFFFF  }
0xc0: {  	_ =	task.clear_ibuf [dreg:s6], $0x2FFFF;
	_ =	strace $0x9FFFFFFF  }
0xc1: {  	(tm) =	ssettm $0x7FFFFFFF  }
tec
execute0_lowered:
.L_overlay_start_1:
0x0: {  	(tag) =	ssettag $0x1  }
0x1: {  	s1 =	srdreg.scid  }
0x2: {  	s0 =	stileid.u32;
	s16 =	sand.u32 $0x1, s1  }
0x3: {  	s30 =	sshll.u32 s0, $0xE;
	s2 =	sshll.u32 s16, $0xD  }
0x4: {  	s10 =	rddreg [dreg:$0x0];
	s11 =	sor.u32 s2, s30  }
0x5: {  	s1 =	rddreg [dreg:$0x1];
	s2 =	simm.s32 $0x0;
	s3 =	sshrl.u32 s11, $0x3  }
0x6: {  	[smem:$0x7FF] =	sst s2;
	s3 =	sadd.s32 s3, s10  }
0x7: {  	_ =	strace $0x80000047;
	s4 =	sadd.s32 $0x1A00, s3;
	s3 =	simm.s32 $0x3  }
0x8: {  	[tilespmem:s2], [sflag:$0x3] =	stream.linear.gather [hbm4b:s4+s2], $0x2000, $0x38;
	[tilespmem:$0x12000] =	vst v63  }
0x9: {  	_ =	swait.ge [sflag:s3], $0x2000  }
0xa: {  	s6 =	simm.s32 $0x800;
	[sflag:s3] =	ssyncset.done $0x0  }
0xb: {  	s7 =	simm.s32 $0x2000;
	s5 =	sadd.s32 $0x11A00, s10;
	[sflag:s3] =	ssyncadd.s32 $0xFFFFE000  }
0xc: {  	[tilespmem:s7], [sflag:$0x1] =	stream.indirect.gather [hbm4b:s5+s6], $0x10, s2, s6, $0xb8;
	[tilespmem:$0x12000] =	vst v63  }
0xd: {  	s8 =	simm.s32 $0xA000;
	s9 =	simm.s32 $0x1  }
0xe: {  	[tilespmem:s8], [sflag:$0x2] =	stream.indirect.gather [hbm4b:s5+s6], $0x10, s6, s6, $0xb8;
	[tilespmem:$0x12000] =	vst v63  }
0xf: {  	s11 =	sshll.u32 s11, $0x1;
	_ =	swait.ge [sflag:s9], $0x8000  }
0x10: {  	s17 =	sadd.s32 s11, s10;
	[sflag:s9] =	ssyncset.done $0x0  }
0x11: {  	s10 =	sadd.s32 $0x511A00, s17;
	[sflag:s9] =	ssyncadd.s32 $0xFFFF8000  }
0x12: {  	[hbm4b:s10+s2] =	stream.linear.scatter [tilespmem:s7], [sflag:$0x3], $0x8000, $0x38;
	[tilespmem:$0x12000] =	vst v63  }
0x13: {  	_ =	swait.ge [sflag:s3], $0x8000  }
0x14: {  	[sflag:s3] =	ssyncset.done $0x0  }
0x15: {  	s12 =	simm.s32 $0x2;
	s11 =	simm.s32 $0x1000;
	[sflag:s3] =	ssyncadd.s32 $0xFFFF8000  }
0x16: {  	[tilespmem:s7], [sflag:$0x1] =	stream.indirect.gather [hbm4b:s5+s6], $0x10, s11, s6, $0xb8;
	[tilespmem:$0x12000] =	vst v63  }
0x17: {  	_ =	swait.ge [sflag:s12], $0x8000  }
0x18: {  	[sflag:s12] =	ssyncset.done $0x0  }
0x19: {  	s13 =	sadd.s32 $0x512A00, s17;
	[sflag:s12] =	ssyncadd.s32 $0xFFFF8000  }
0x1a: {  	[hbm4b:s13+s2] =	stream.linear.scatter [tilespmem:s8], [sflag:$0x3], $0x8000, $0x38;
	[tilespmem:$0x12000] =	vst v63  }
0x1b: {  	_ =	swait.ge [sflag:s3], $0x8000  }
0x1c: {  	[sflag:s3] =	ssyncset.done $0x0  }
0x1d: {  	s14 =	simm.s32 $0x1800;
	[sflag:s3] =	ssyncadd.s32 $0xFFFF8000  }
0x1e: {  	[tilespmem:s8], [sflag:$0x2] =	stream.indirect.gather [hbm4b:s5+s6], $0x10, s14, s6, $0xb8;
	[tilespmem:$0x12000] =	vst v63  }
0x1f: {  	_ =	swait.ge [sflag:s9], $0x8000  }
0x20: {  	[sflag:s9] =	ssyncset.done $0x0  }
0x21: {  	s16 =	ssub.s32 $0x2, s16;
	s15 =	sadd.s32 $0x513A00, s17;
	[sflag:s9] =	ssyncadd.s32 $0xFFFF8000  }
0x22: {  	[hbm4b:s15+s2] =	stream.linear.scatter [tilespmem:s7], [sflag:$0x3], $0x8000, $0x38;
	[tilespmem:$0x12000] =	vst v63  }
0x23: {  	s18 =	sshrl.u32 s16, $0x1;
	_ =	swait.ge [sflag:s3], $0x8000  }
0x24: {  	s18 =	ssub.s32 s16, s18;
	[sflag:s3] =	ssyncset.done $0x0  }
0x25: {  	s31 =	smax.u32 s18, $0x1;
	[sflag:s3] =	ssyncadd.s32 $0xFFFF8000  }
0x26: {  	p0 =	sne.s32 s31, $0x1;
	_ =	swait.ge [sflag:s12], $0x8000  }
.Ltmp0:
0x27: {  	[sflag:s12] =	ssyncset.done $0x0;
	(pc) =	sbr.rel @!p0 .LBB2_2-.Ltmp0, $4  }
0x28: {  	s16 =	sadd.s32 $0x514A00, s17;
	[sflag:s12] =	ssyncadd.s32 $0xFFFF8000  }
0x29: {  	[hbm4b:s16+s2] =	stream.linear.scatter [tilespmem:s8], [sflag:$0x3], $0x8000, $0x38;
	[tilespmem:$0x12000] =	vst v63  }
0x2a: {  	_ =	swait.ge [sflag:s3], $0x8000  }
0x2b: {  	s17 =	sadd.s32 $0xFFFFFFFF, s31;
	[sflag:s3] =	ssyncset.done $0x0  }
.LBB2_1:
0x2c: {  	p0 =	sne.s32 s17, $0x1;
	s17 =	sadd.s32 $0xFFFFFFFF, s17;
	[sflag:s3] =	ssyncadd.s32 $0xFFFF8000  }
0x2d: {  	[tilespmem:s2], [sflag:$0x3] =	stream.linear.gather [hbm4b:s4+s2], $0x2000, $0x38;
	[tilespmem:$0x12000] =	vst v63  }
0x2e: {  	_ =	swait.ge [sflag:s3], $0x2000  }
0x2f: {  	[sflag:s3] =	ssyncset.done $0x0  }
0x30: {  	[sflag:s3] =	ssyncadd.s32 $0xFFFFE000  }
0x31: {  	[tilespmem:s7], [sflag:$0x1] =	stream.indirect.gather [hbm4b:s5+s6], $0x10, s2, s6, $0xb8;
	[tilespmem:$0x12000] =	vst v63  }
0x32: {  	_ = 	snop  }
0x33: {  	[tilespmem:s8], [sflag:$0x2] =	stream.indirect.gather [hbm4b:s5+s6], $0x10, s6, s6, $0xb8;
	[tilespmem:$0x12000] =	vst v63  }
0x34: {  	_ =	swait.ge [sflag:s9], $0x8000  }
0x35: {  	[sflag:s9] =	ssyncset.done $0x0  }
0x36: {  	[sflag:s9] =	ssyncadd.s32 $0xFFFF8000  }
0x37: {  	[hbm4b:s10+s2] =	stream.linear.scatter [tilespmem:s7], [sflag:$0x3], $0x8000, $0x38;
	[tilespmem:$0x12000] =	vst v63  }
0x38: {  	_ =	swait.ge [sflag:s3], $0x8000  }
0x39: {  	[sflag:s3] =	ssyncset.done $0x0  }
0x3a: {  	[sflag:s3] =	ssyncadd.s32 $0xFFFF8000  }
0x3b: {  	[tilespmem:s7], [sflag:$0x1] =	stream.indirect.gather [hbm4b:s5+s6], $0x10, s11, s6, $0xb8;
	[tilespmem:$0x12000] =	vst v63  }
0x3c: {  	_ =	swait.ge [sflag:s12], $0x8000  }
0x3d: {  	[sflag:s12] =	ssyncset.done $0x0  }
0x3e: {  	[sflag:s12] =	ssyncadd.s32 $0xFFFF8000  }
0x3f: {  	[hbm4b:s13+s2] =	stream.linear.scatter [tilespmem:s8], [sflag:$0x3], $0x8000, $0x38;
	[tilespmem:$0x12000] =	vst v63  }
0x40: {  	_ =	swait.ge [sflag:s3], $0x8000  }
0x41: {  	[sflag:s3] =	ssyncset.done $0x0  }
0x42: {  	[sflag:s3] =	ssyncadd.s32 $0xFFFF8000  }
0x43: {  	[tilespmem:s8], [sflag:$0x2] =	stream.indirect.gather [hbm4b:s5+s6], $0x10, s14, s6, $0xb8;
	[tilespmem:$0x12000] =	vst v63  }
0x44: {  	_ =	swait.ge [sflag:s9], $0x8000  }
0x45: {  	[sflag:s9] =	ssyncset.done $0x0  }
0x46: {  	[sflag:s9] =	ssyncadd.s32 $0xFFFF8000  }
0x47: {  	[hbm4b:s15+s2] =	stream.linear.scatter [tilespmem:s7], [sflag:$0x3], $0x8000, $0x38;
	[tilespmem:$0x12000] =	vst v63  }
0x48: {  	_ =	swait.ge [sflag:s3], $0x8000  }
0x49: {  	[sflag:s3] =	ssyncset.done $0x0  }
0x4a: {  	[sflag:s3] =	ssyncadd.s32 $0xFFFF8000  }
0x4b: {  	_ =	swait.ge [sflag:s12], $0x8000  }
.Ltmp1:
0x4c: {  	[sflag:s12] =	ssyncset.done $0x0;
	(pc) =	sbr.rel @p0 .LBB2_1-.Ltmp1, $4  }
0x4d: {  	[sflag:s12] =	ssyncadd.s32 $0xFFFF8000  }
0x4e: {  	[hbm4b:s16+s2] =	stream.linear.scatter [tilespmem:s8], [sflag:$0x3], $0x8000, $0x38;
	[tilespmem:$0x12000] =	vst v63  }
0x4f: {  	_ =	swait.ge [sflag:s3], $0x8000  }
0x50: {  	[sflag:s3] =	ssyncset.done $0x0  }
.LBB2_2:
0x51: {  	[sflag:s3] =	ssyncadd.s32 $0xFFFF8000  }
0x52: {  	_ =	sfence.sel $0x180000  }
0x53: {  	[bflag:$0x0] =	sbarrier.arrive $0xFFFF  }
0x54: {  	p0 =	sne.s32 s0, $0x0;
	_ =	strace $0x90000047  }
0x55: {  	s0 =	sadd.s32 @!p0 $0x100000, s1;
	[bflag:$0x2] =	sbarrier.arrive $0xFFFF  }
0x56: {  	[sflag:s0] =	ssyncadd.tile.s32 @!p0 $0x1;
	_ =	shalt  }
.Lfunc_end2:
_tile_overlayer_lowered:
.L_overlay_start_2:
0x57: {  	(tag) =	ssettag $0x2  }
0x58: {  	s0 =	rddreg [dreg:$0x0];
	s2 =	stileid.u32  }
0x59: {  	s1 =	rddreg [dreg:$0x1];
	p0 =	sne.s32 s2, $0x0  }
0x5a: {  	s3 =	rddreg [dreg:$0x2];
	[bflag:$0x3] =	sbarrier.arrive $0xFFFF;
	s2 =	simm.s32 @!p0 $0x1C03  }
0x5b: {  	[timem:s3], [sflag:s2] =	dma.local @!p0 [hbm:s0], s1  }
0x5c: {  	s0 =	simm.s32 @!p0 $0x3  }
0x5d: {  	_ =	swait.ge @!p0 [sflag:s0], s1  }
0x5e: {  	s1 =	ssub.s32 @!p0 $0x0, s1;
	[sflag:s0] =	ssyncset.done @!p0 $0x0  }
0x5f: {  	[sflag:s0] =	ssyncadd.s32 @!p0 s1  }
0x60: {  	[bflag:$0x3] =	sbarrier.arrive $0xFFFF  }
0x61: {  	_ =	shalt  }

</sc_bundles>
